<compile_context>
chip_gen: v7x
topology: tpu7x:2x2x1
jax: 0.10.2.dev20260603
libtpu: 0.0.44.dev20260713+nightly
codegen_flags: <defaults>
</compile_context>

<pallas_src>
import functools

import jax
import jax.numpy as jnp
from jax import lax
from jax.experimental import pallas as pl
from jax.experimental.pallas import tpu as pltpu
from jax.experimental.pallas import tpu_sc as plsc

_ODR = 4
_KNN = 32
_EPS = 1e-5


def _knn_body(scoorT_ref, coor_ref, oidx_ref, d_ref, *, mt, n):
    b = pl.program_id(0)
    c = coor_ref[0]
    c0 = c[:, 0:1]
    c1 = c[:, 1:2]
    c2 = c[:, 2:3]
    s = scoorT_ref[0]
    s0 = s[0:1, :]
    s1 = s[1:2, :]
    s2 = s[2:3, :]
    dot = jnp.dot(c, s, preferred_element_type=jnp.float32)
    cnorm = c0 * c0 + c1 * c1 + c2 * c2
    snorm = s0 * s0 + s1 * s1 + s2 * s2
    d0 = (snorm + cnorm) - 2.0 * dot
    d_ref[...] = d0
    iota = lax.broadcasted_iota(jnp.int32, (n, mt), 0)
    base = b * n
    nq = n // 8

    def _rmin(a):
        a3 = a.reshape(nq, 8, mt)
        return jnp.min(jnp.min(a3, axis=0), axis=0, keepdims=True)

    def body(j, m):
        d = d_ref[...]
        cand = jnp.where(d <= m, iota, jnp.int32(n))
        idx = jnp.min(jnp.min(cand.reshape(nq, 8, mt), axis=0), axis=0,
                      keepdims=True)
        oidx_ref[0, pl.ds(j, 1), :] = idx + base
        dn = jnp.where(iota == idx, jnp.float32(jnp.inf), d)
        d_ref[...] = dn
        return _rmin(dn)

    lax.fori_loop(0, _KNN, body, _rmin(d0))


def _knn_topk(scoorT, coor, interpret=False):
    bsz, _, m = scoorT.shape
    n = coor.shape[1]
    mt = 512
    body = functools.partial(_knn_body, mt=mt, n=n)
    return pl.pallas_call(
        body,
        grid=(bsz, m // mt),
        in_specs=[
            pl.BlockSpec((1, 8, mt), lambda b, i: (b, 0, i)),
            pl.BlockSpec((1, n, 8), lambda b, i: (b, 0, 0)),
        ],
        out_specs=pl.BlockSpec((1, _KNN, mt), lambda b, i: (b, 0, i)),
        out_shape=jax.ShapeDtypeStruct((bsz, _KNN, m), jnp.int32),
        scratch_shapes=[pltpu.VMEM((n, mt), jnp.float32)],
        interpret=interpret,
    )(scoorT, coor)


def _gather_rows(xflat, gidx3):
    nw, nch, p = gidx3.shape
    c = xflat.shape[1]
    per_w = nch * p
    info = plsc.get_sparse_core_info()
    ncores = info.num_cores
    mesh = plsc.VectorSubcoreMesh(core_axis_name="c", subcore_axis_name="s")

    @functools.partial(
        pl.kernel,
        mesh=mesh,
        compiler_params=pltpu.CompilerParams(use_tc_tiling_on_sc=True),
        out_type=jax.ShapeDtypeStruct((nw * per_w, c), jnp.float32),
        scratch_types=[
            pltpu.VMEM((p,), jnp.int32),
            pltpu.VMEM((p,), jnp.int32),
            pltpu.VMEM((p, c), jnp.float32),
            pltpu.VMEM((p, c), jnp.float32),
            pltpu.SemaphoreType.DMA,
            pltpu.SemaphoreType.DMA,
        ],
    )
    def k(x_hbm, idx_hbm, out_hbm, idx0, idx1, rows0, rows1, sem0, sem1):
        wid = lax.axis_index("s") * ncores + lax.axis_index("c")
        base = wid * per_w

        def pair(i, carry):
            j0 = 2 * i
            j1 = 2 * i + 1
            pltpu.sync_copy(idx_hbm.at[wid, j0], idx0)
            cp0 = pltpu.async_copy(x_hbm.at[idx0], rows0, sem0)
            pltpu.sync_copy(idx_hbm.at[wid, j1], idx1)
            cp1 = pltpu.async_copy(x_hbm.at[idx1], rows1, sem1)
            cp0.wait()
            pltpu.sync_copy(rows0, out_hbm.at[pl.ds(base + j0 * p, p)])
            cp1.wait()
            pltpu.sync_copy(rows1, out_hbm.at[pl.ds(base + j1 * p, p)])
            return carry

        lax.fori_loop(0, nch // 2, pair, 0)

    return k(xflat, gidx3)


def _l1(g_ref, sx_ref, w1b_ref, w1d_ref, b1_ref, *, mt, oc):
    c = sx_ref.shape[2]
    u = jnp.dot(g_ref[0].reshape(_KNN * mt, c), w1b_ref[...],
                preferred_element_type=jnp.float32)
    v = jnp.dot(sx_ref[0], w1d_ref[...], preferred_element_type=jnp.float32)
    v = v + b1_ref[...]
    return (u.reshape(_KNN, mt, oc) + v[None, :, :]).reshape(_KNN * mt, oc)


def _acc_sums(sums_ref, h):
    ssum = jnp.sum(h, axis=0, keepdims=True)
    ssq = jnp.sum(h * h, axis=0, keepdims=True)
    part = jnp.concatenate([ssum, ssq], axis=0)
    first = (pl.program_id(0) == 0) & (pl.program_id(1) == 0)

    @pl.when(first)
    def _():
        sums_ref[...] = part

    @pl.when(jnp.logical_not(first))
    def _():
        sums_ref[...] = sums_ref[...] + part


def _stats1_body(g_ref, sx_ref, w1b_ref, w1d_ref, b1_ref, sums_ref, *, mt, oc):
    h = _l1(g_ref, sx_ref, w1b_ref, w1d_ref, b1_ref, mt=mt, oc=oc)
    _acc_sums(sums_ref, h)


def _stats1(gathered4, sx, w1bT, w1dT, b1r, interpret=False):
    bsz, _, m, c = gathered4.shape
    oc = w1bT.shape[1]
    mt = 64
    body = functools.partial(_stats1_body, mt=mt, oc=oc)
    return pl.pallas_call(
        body,
        grid=(bsz, m // mt),
        in_specs=[
            pl.BlockSpec((1, _KNN, mt, c), lambda b, i: (b, 0, i, 0)),
            pl.BlockSpec((1, mt, c), lambda b, i: (b, i, 0)),
            pl.BlockSpec((c, oc), lambda b, i: (0, 0)),
            pl.BlockSpec((c, oc), lambda b, i: (0, 0)),
            pl.BlockSpec((1, oc), lambda b, i: (0, 0)),
        ],
        out_specs=pl.BlockSpec((2, oc), lambda b, i: (0, 0)),
        out_shape=jax.ShapeDtypeStruct((2, oc), jnp.float32),
        interpret=interpret,
    )(gathered4, sx, w1bT, w1dT, b1r)


def _layer2_body(g_ref, sx_ref, w1b_ref, w1d_ref, b1_ref, sums1_ref, g1_ref,
                 be1_ref, w2_ref, b2_ref, hmax_ref, hmin_ref, sums2_ref, *,
                 mt, oc, tn):
    mean = sums1_ref[0:1, :] * (1.0 / tn)
    ex2 = sums1_ref[1:2, :] * (1.0 / tn)
    var = ex2 - mean * mean
    s1 = g1_ref[...] / jnp.sqrt(var + _EPS)
    t1 = be1_ref[...] - mean * s1

    h = _l1(g_ref, sx_ref, w1b_ref, w1d_ref, b1_ref, mt=mt, oc=oc)
    act = jnp.maximum(h * s1 + t1, 0.0)
    h2 = jnp.dot(act, w2_ref[...], preferred_element_type=jnp.float32)
    h2 = h2 + b2_ref[...]
    h23 = h2.reshape(_KNN, mt, oc)
    hmax_ref[0] = jnp.max(h23, axis=0)
    hmin_ref[0] = jnp.min(h23, axis=0)
    _acc_sums(sums2_ref, h2)


def _layer2(gathered4, sx, w1bT, w1dT, b1r, sums1, g1r, be1r, w2T, b2r,
            interpret=False):
    bsz, _, m, c = gathered4.shape
    oc = w2T.shape[1]
    mt = 64
    tn = float(bsz * m * _KNN)
    body = functools.partial(_layer2_body, mt=mt, oc=oc, tn=tn)
    return pl.pallas_call(
        body,
        grid=(bsz, m // mt),
        in_specs=[
            pl.BlockSpec((1, _KNN, mt, c), lambda b, i: (b, 0, i, 0)),
            pl.BlockSpec((1, mt, c), lambda b, i: (b, i, 0)),
            pl.BlockSpec((c, oc), lambda b, i: (0, 0)),
            pl.BlockSpec((c, oc), lambda b, i: (0, 0)),
            pl.BlockSpec((1, oc), lambda b, i: (0, 0)),
            pl.BlockSpec((2, oc), lambda b, i: (0, 0)),
            pl.BlockSpec((1, oc), lambda b, i: (0, 0)),
            pl.BlockSpec((1, oc), lambda b, i: (0, 0)),
            pl.BlockSpec((oc, oc), lambda b, i: (0, 0)),
            pl.BlockSpec((1, oc), lambda b, i: (0, 0)),
        ],
        out_specs=[
            pl.BlockSpec((1, mt, oc), lambda b, i: (b, i, 0)),
            pl.BlockSpec((1, mt, oc), lambda b, i: (b, i, 0)),
            pl.BlockSpec((2, oc), lambda b, i: (0, 0)),
        ],
        out_shape=[
            jax.ShapeDtypeStruct((bsz, m, oc), jnp.float32),
            jax.ShapeDtypeStruct((bsz, m, oc), jnp.float32),
            jax.ShapeDtypeStruct((2, oc), jnp.float32),
        ],
        interpret=interpret,
    )(gathered4, sx, w1bT, w1dT, b1r, sums1, g1r, be1r, w2T, b2r)


def _finish_body(hmax_ref, hmin_ref, sums2_ref, g2_ref, be2_ref, out_ref, *, tn):
    mean = sums2_ref[0:1, :] * (1.0 / tn)
    ex2 = sums2_ref[1:2, :] * (1.0 / tn)
    var = ex2 - mean * mean
    s2 = g2_ref[...] / jnp.sqrt(var + _EPS)
    t2 = be2_ref[...] - mean * s2
    a = jnp.where(s2 >= 0.0, hmax_ref[...], hmin_ref[...])
    out_ref[...] = jnp.maximum(a * s2 + t2, 0.0)


def _finish(hmax, hmin, sums2, g2r, be2r, interpret=False):
    t, oc = hmax.shape
    tt = 512
    tn = float(t * _KNN)
    body = functools.partial(_finish_body, tn=tn)
    return pl.pallas_call(
        body,
        grid=(t // tt,),
        in_specs=[
            pl.BlockSpec((tt, oc), lambda i: (i, 0)),
            pl.BlockSpec((tt, oc), lambda i: (i, 0)),
            pl.BlockSpec((2, oc), lambda i: (0, 0)),
            pl.BlockSpec((1, oc), lambda i: (0, 0)),
            pl.BlockSpec((1, oc), lambda i: (0, 0)),
        ],
        out_specs=pl.BlockSpec((tt, oc), lambda i: (i, 0)),
        out_shape=jax.ShapeDtypeStruct((t, oc), jnp.float32),
        interpret=interpret,
    )(hmax, hmin, sums2, g2r, be2r)


def kernel(x, coor, W1, b1, g1, be1, W2, b2, g2, be2):
    B, N, C = x.shape
    M = N // _ODR
    OC = W1.shape[0]

    indx = jax.random.permutation(jax.random.key(42), N)[:M]
    sampled_coor = coor[:, indx, :]
    sampled_x = x[:, indx, :]

    scoorT = jnp.pad(jnp.transpose(sampled_coor, (0, 2, 1)),
                     ((0, 0), (0, 5), (0, 0)))
    coor8 = jnp.pad(coor, ((0, 0), (0, 0), (0, 5)))
    gidx = _knn_topk(scoorT, coor8)

    nw = 32
    p = 256
    nch = (B * M * _KNN) // (nw * p)
    gidx3 = gidx.reshape(nw, nch, p)
    xflat = x.reshape(B * N, C)
    gathered = _gather_rows(xflat, gidx3)
    gathered4 = gathered.reshape(B, _KNN, M, C)

    w1bT = jnp.transpose(W1[:, C:])
    w1dT = jnp.transpose(W1[:, :C] - W1[:, C:])
    b1r = b1.reshape(1, OC)
    sums1 = _stats1(gathered4, sampled_x, w1bT, w1dT, b1r)

    w2T = jnp.transpose(W2)
    hmax, hmin, sums2 = _layer2(
        gathered4, sampled_x, w1bT, w1dT, b1r, sums1,
        g1.reshape(1, OC), be1.reshape(1, OC), w2T, b2.reshape(1, OC))

    out = _finish(hmax.reshape(B * M, OC), hmin.reshape(B * M, OC), sums2,
                  g2.reshape(1, OC), be2.reshape(1, OC))
    return (out.reshape(B, M, OC), sampled_coor)

# --- scband reference (transcript-rebuilt; emitter-appended) ---
"""Pipeline reference for scband-sample-and-group-18167711662781 (READ-ONLY COPY).

The authoritative reference and input builder live on the scoring server;
editing this copy changes nothing except your own understanding.
"""

import jax, jax.numpy as jnp
import numpy as np

ODR = 4
KNN = 32


def setup_inputs(seed: int = 0) -> dict:
    key = jax.random.key(seed)
    ks = jax.random.split(key, 6)
    B, N, C, OC = 8, 4096, 128, 256
    x = jax.random.normal(ks[0], (B, N, C), dtype=jnp.float32)
    coor = jax.random.normal(ks[1], (B, N, 3), dtype=jnp.float32)
    W1 = (jax.random.normal(ks[2], (OC, 2 * C), dtype=jnp.float32) / jnp.sqrt(2.0 * C)).astype(jnp.float32)
    b1 = jnp.zeros((OC,), dtype=jnp.float32)
    g1 = jnp.ones((OC,), dtype=jnp.float32)
    be1 = jnp.zeros((OC,), dtype=jnp.float32)
    W2 = (jax.random.normal(ks[3], (OC, OC), dtype=jnp.float32) / jnp.sqrt(1.0 * OC)).astype(jnp.float32)
    b2 = jnp.zeros((OC,), dtype=jnp.float32)
    g2 = jnp.ones((OC,), dtype=jnp.float32)
    be2 = jnp.zeros((OC,), dtype=jnp.float32)
    return {"x": x, "coor": coor, "W1": W1, "b1": b1, "g1": g1, "be1": be1, "W2": W2, "b2": b2, "g2": g2, "be2": be2}


def _lbr(h, W, b, g, be):
    # Linear -> BatchNorm1d (training-mode batch stats over batch and length dims) -> ReLU
    h = h @ W.T + b  # [M, L, OC]
    mean = jnp.mean(h, axis=(0, 1))
    var = jnp.var(h, axis=(0, 1))
    h = (h - mean) / jnp.sqrt(var + 1e-5) * g + be
    return jax.nn.relu(h)


def reference(x, coor, W1, b1, g1, be1, W2, b2, g2, be2):
    B, N, C = x.shape
    out_num = N // ODR
    # torch.randperm(N)[:out_num] equivalent with a fixed key
    indx = jax.random.permutation(jax.random.key(42), N)[:out_num]
    sampled_coor = coor[:, indx, :]  # [B, M, 3]
    sampled_x = x[:, indx, :]        # [B, M, C]
    # squared euclidean distance [B, M, N] (expanded form, same math)
    dist = (jnp.sum(sampled_coor ** 2, axis=-1)[:, :, None]
            + jnp.sum(coor ** 2, axis=-1)[:, None, :]
            - 2.0 * jnp.einsum('bmc,bnc->bmn', sampled_coor, coor))
    knn_index = jnp.argsort(dist, axis=-1)[:, :, :KNN]  # [B, M, K]
    repeated_x = jnp.broadcast_to(sampled_x[:, :, None, :], (B, out_num, KNN, C))
    gathered = jax.vmap(lambda xb, ib: xb[ib])(x, knn_index)  # [B, M, K, C]
    my_knn_x = gathered - repeated_x
    feat = jnp.concatenate([repeated_x, my_knn_x], axis=-1).reshape(B * out_num, KNN, 2 * C)
    h = _lbr(feat, W1, b1, g1, be1)
    h = _lbr(h, W2, b2, g2, be2)
    h = h.reshape(B, out_num, KNN, -1)
    out = jnp.max(h, axis=2)
    return (out, sampled_coor)

if __name__ == "__main__":
    import jax
    _d = setup_inputs()
    print(jax.jit(kernel)(*tuple(_d.values())))

</pallas_src>

<mosaic_0001>
#map = affine_map<(d0, d1) -> (0, 0)>
#map1 = affine_map<(d0, d1) -> (0, 0, 0)>
module attributes {stable_mosaic.version = 14 : i64} {
  func.func @k(%arg0: i32, %arg1: i32, %arg2: memref<32768x128xf32, #tpu.memory_space<hbm>>, %arg3: memref<32x32x256xi32, #tpu.memory_space<hbm>>, %arg4: memref<262144x128xf32, #tpu.memory_space<hbm>>, %arg5: memref<256xi32, #tpu.memory_space<vmem>>, %arg6: memref<256xi32, #tpu.memory_space<vmem>>, %arg7: memref<256x128xf32, #tpu.memory_space<vmem>>, %arg8: memref<256x128xf32, #tpu.memory_space<vmem>>, %arg9: memref<!tpu.dma_semaphore, #tpu.memory_space<semaphore_mem>>, %arg10: memref<!tpu.dma_semaphore, #tpu.memory_space<semaphore_mem>>) attributes {dimension_semantics = [#tpu.dimension_semantics<core_parallel>, #tpu.dimension_semantics<subcore_parallel>], iteration_bounds = array<i64: 2, 16>, scalar_prefetch = 0 : i64, scratch_operands = 6 : i64, tpu.core_type = #tpu.core_type<sc_vector_subcore>, window_params = [{transform_indices = #map}, {transform_indices = #map1}, {transform_indices = #map}]} {
    %mul3A = arith.constant 2 : i32
    %mul3A_0 = arith.muli %arg1, %mul3A : i32
    %add3A = arith.addi %mul3A_0, %arg0 : i32
    %mul3A_1 = arith.constant 8192 : i32
    %mul3A_2 = arith.muli %add3A, %mul3A_1 : i32
    %scan3A = arith.constant 0 : i32
    %scan3A_3 = arith.constant 0 : i32
    %scan3A_4 = arith.constant 16 : i32
    %scan3A_5 = arith.addi %scan3A_3, %scan3A_4 : i32
    %scan3A_6 = arith.constant 1 : i32
    scf.for %scan3A_8 = %scan3A_3 to %scan3A_5 step %scan3A_6  : i32 {
      %mul3A_9 = arith.constant 2 : i32
      %mul3A_10 = arith.muli %mul3A_9, %scan3A_8 : i32
      %mul3A_11 = arith.constant 2 : i32
      %mul3A_12 = arith.muli %mul3A_11, %scan3A_8 : i32
      %add3A_13 = arith.constant 1 : i32
      %add3A_14 = arith.addi %mul3A_12, %add3A_13 : i32
      "tpu.region"() ({
        %run_scoped3A = tpu.sem_alloc : memref<!tpu.dma_semaphore, #tpu.memory_space<semaphore_mem>>
        %dma_start3A_31 = arith.constant 0 : i32
        %dma_start3A_32 = tpu.memref_slice %arg3[%add3A, %mul3A_10, %dma_start3A_31] : memref<32x32x256xi32, #tpu.memory_space<hbm>> -> memref<1x1x256xi32, #tpu.memory_space<hbm>>
        %dma_start3A_33 = tpu.memref_squeeze %dma_start3A_32 : memref<1x1x256xi32, #tpu.memory_space<hbm>> -> memref<256xi32, #tpu.memory_space<hbm>>
        %dma_start3A_34 = arith.constant 0 : i32
        %dma_start3A_35 = tpu.memref_slice %arg3[%add3A, %mul3A_10, %dma_start3A_34] : memref<32x32x256xi32, #tpu.memory_space<hbm>> -> memref<1x1x256xi32, #tpu.memory_space<hbm>>
        %dma_start3A_36 = tpu.memref_squeeze %dma_start3A_35 : memref<1x1x256xi32, #tpu.memory_space<hbm>> -> memref<256xi32, #tpu.memory_space<hbm>>
        tpu.enqueue_dma source(%dma_start3A_36 : memref<256xi32, #tpu.memory_space<hbm>>) target(%arg5 : memref<256xi32, #tpu.memory_space<vmem>>) target_semaphore(%run_scoped3A : memref<!tpu.dma_semaphore, #tpu.memory_space<semaphore_mem>>)
        %dma_wait3A_37 = arith.constant 0 : i32
        %dma_wait3A_38 = tpu.memref_slice %arg3[%add3A, %mul3A_10, %dma_wait3A_37] : memref<32x32x256xi32, #tpu.memory_space<hbm>> -> memref<1x1x256xi32, #tpu.memory_space<hbm>>
        %dma_wait3A_39 = tpu.memref_squeeze %dma_wait3A_38 : memref<1x1x256xi32, #tpu.memory_space<hbm>> -> memref<256xi32, #tpu.memory_space<hbm>>
        %dma_wait3A_40 = arith.constant 0 : i32
        %dma_wait3A_41 = tpu.memref_slice %arg3[%add3A, %mul3A_10, %dma_wait3A_40] : memref<32x32x256xi32, #tpu.memory_space<hbm>> -> memref<1x1x256xi32, #tpu.memory_space<hbm>>
        %dma_wait3A_42 = tpu.memref_squeeze %dma_wait3A_41 : memref<1x1x256xi32, #tpu.memory_space<hbm>> -> memref<256xi32, #tpu.memory_space<hbm>>
        tpu.wait_dma2 semaphore(%run_scoped3A : memref<!tpu.dma_semaphore, #tpu.memory_space<semaphore_mem>>) src(%dma_wait3A_42 : memref<256xi32, #tpu.memory_space<hbm>>) dst(%arg5 : memref<256xi32, #tpu.memory_space<vmem>>)
        tpu.yield
      }) : () -> ()
      %dma_start3A = arith.constant 0 : i32
      %dma_start3A_15 = arith.constant 0 : i32
      %dma_start3A_16 = tpu.memref_slice %arg2[%dma_start3A, %dma_start3A_15] : memref<32768x128xf32, #tpu.memory_space<hbm>> -> memref<32768x128xf32, #tpu.memory_space<hbm>>
      tpu.enqueue_indirect_dma source(%dma_start3A_16 : memref<32768x128xf32, #tpu.memory_space<hbm>>) target(%arg7 : memref<256x128xf32, #tpu.memory_space<vmem>>) offsets(%arg5 : memref<256xi32, #tpu.memory_space<vmem>>) semaphore(%arg9 : memref<!tpu.dma_semaphore, #tpu.memory_space<semaphore_mem>>)
      "tpu.region"() ({
        %run_scoped3A = tpu.sem_alloc : memref<!tpu.dma_semaphore, #tpu.memory_space<semaphore_mem>>
        %dma_start3A_31 = arith.constant 0 : i32
        %dma_start3A_32 = tpu.memref_slice %arg3[%add3A, %add3A_14, %dma_start3A_31] : memref<32x32x256xi32, #tpu.memory_space<hbm>> -> memref<1x1x256xi32, #tpu.memory_space<hbm>>
        %dma_start3A_33 = tpu.memref_squeeze %dma_start3A_32 : memref<1x1x256xi32, #tpu.memory_space<hbm>> -> memref<256xi32, #tpu.memory_space<hbm>>
        %dma_start3A_34 = arith.constant 0 : i32
        %dma_start3A_35 = tpu.memref_slice %arg3[%add3A, %add3A_14, %dma_start3A_34] : memref<32x32x256xi32, #tpu.memory_space<hbm>> -> memref<1x1x256xi32, #tpu.memory_space<hbm>>
        %dma_start3A_36 = tpu.memref_squeeze %dma_start3A_35 : memref<1x1x256xi32, #tpu.memory_space<hbm>> -> memref<256xi32, #tpu.memory_space<hbm>>
        tpu.enqueue_dma source(%dma_start3A_36 : memref<256xi32, #tpu.memory_space<hbm>>) target(%arg6 : memref<256xi32, #tpu.memory_space<vmem>>) target_semaphore(%run_scoped3A : memref<!tpu.dma_semaphore, #tpu.memory_space<semaphore_mem>>)
        %dma_wait3A_37 = arith.constant 0 : i32
        %dma_wait3A_38 = tpu.memref_slice %arg3[%add3A, %add3A_14, %dma_wait3A_37] : memref<32x32x256xi32, #tpu.memory_space<hbm>> -> memref<1x1x256xi32, #tpu.memory_space<hbm>>
        %dma_wait3A_39 = tpu.memref_squeeze %dma_wait3A_38 : memref<1x1x256xi32, #tpu.memory_space<hbm>> -> memref<256xi32, #tpu.memory_space<hbm>>
        %dma_wait3A_40 = arith.constant 0 : i32
        %dma_wait3A_41 = tpu.memref_slice %arg3[%add3A, %add3A_14, %dma_wait3A_40] : memref<32x32x256xi32, #tpu.memory_space<hbm>> -> memref<1x1x256xi32, #tpu.memory_space<hbm>>
        %dma_wait3A_42 = tpu.memref_squeeze %dma_wait3A_41 : memref<1x1x256xi32, #tpu.memory_space<hbm>> -> memref<256xi32, #tpu.memory_space<hbm>>
        tpu.wait_dma2 semaphore(%run_scoped3A : memref<!tpu.dma_semaphore, #tpu.memory_space<semaphore_mem>>) src(%dma_wait3A_42 : memref<256xi32, #tpu.memory_space<hbm>>) dst(%arg6 : memref<256xi32, #tpu.memory_space<vmem>>)
        tpu.yield
      }) : () -> ()
      %dma_start3A_17 = arith.constant 0 : i32
      %dma_start3A_18 = arith.constant 0 : i32
      %dma_start3A_19 = tpu.memref_slice %arg2[%dma_start3A_17, %dma_start3A_18] : memref<32768x128xf32, #tpu.memory_space<hbm>> -> memref<32768x128xf32, #tpu.memory_space<hbm>>
      tpu.enqueue_indirect_dma source(%dma_start3A_19 : memref<32768x128xf32, #tpu.memory_space<hbm>>) target(%arg8 : memref<256x128xf32, #tpu.memory_space<vmem>>) offsets(%arg6 : memref<256xi32, #tpu.memory_space<vmem>>) semaphore(%arg10 : memref<!tpu.dma_semaphore, #tpu.memory_space<semaphore_mem>>)
      %dma_wait3A = arith.constant 0 : i32
      %dma_wait3A_20 = arith.constant 0 : i32
      %dma_wait3A_21 = tpu.memref_slice %arg2[%dma_wait3A, %dma_wait3A_20] : memref<32768x128xf32, #tpu.memory_space<hbm>> -> memref<32768x128xf32, #tpu.memory_space<hbm>>
      tpu.wait_indirect_dma semaphore(%arg9 : memref<!tpu.dma_semaphore, #tpu.memory_space<semaphore_mem>>) src(%dma_wait3A_21 : memref<32768x128xf32, #tpu.memory_space<hbm>>) dst(%arg7 : memref<256x128xf32, #tpu.memory_space<vmem>>)
      %mul3A_22 = arith.constant 256 : i32
      %mul3A_23 = arith.muli %mul3A_10, %mul3A_22 : i32
      %add3A_24 = arith.addi %mul3A_2, %mul3A_23 : i32
      "tpu.region"() ({
        %run_scoped3A = tpu.sem_alloc : memref<!tpu.dma_semaphore, #tpu.memory_space<semaphore_mem>>
        %dma_start3A_31 = arith.constant 0 : i32
        %dma_start3A_32 = tpu.memref_slice %arg4[%add3A_24, %dma_start3A_31] : memref<262144x128xf32, #tpu.memory_space<hbm>> -> memref<256x128xf32, #tpu.memory_space<hbm>>
        %dma_start3A_33 = arith.constant 0 : i32
        %dma_start3A_34 = tpu.memref_slice %arg4[%add3A_24, %dma_start3A_33] : memref<262144x128xf32, #tpu.memory_space<hbm>> -> memref<256x128xf32, #tpu.memory_space<hbm>>
        tpu.enqueue_dma source(%arg7 : memref<256x128xf32, #tpu.memory_space<vmem>>) target(%dma_start3A_34 : memref<256x128xf32, #tpu.memory_space<hbm>>) target_semaphore(%run_scoped3A : memref<!tpu.dma_semaphore, #tpu.memory_space<semaphore_mem>>)
        %dma_wait3A_35 = arith.constant 0 : i32
        %dma_wait3A_36 = tpu.memref_slice %arg4[%add3A_24, %dma_wait3A_35] : memref<262144x128xf32, #tpu.memory_space<hbm>> -> memref<256x128xf32, #tpu.memory_space<hbm>>
        %dma_wait3A_37 = arith.constant 0 : i32
        %dma_wait3A_38 = tpu.memref_slice %arg4[%add3A_24, %dma_wait3A_37] : memref<262144x128xf32, #tpu.memory_space<hbm>> -> memref<256x128xf32, #tpu.memory_space<hbm>>
        tpu.wait_dma2 semaphore(%run_scoped3A : memref<!tpu.dma_semaphore, #tpu.memory_space<semaphore_mem>>) src(%arg7 : memref<256x128xf32, #tpu.memory_space<vmem>>) dst(%dma_wait3A_38 : memref<256x128xf32, #tpu.memory_space<hbm>>)
        tpu.yield
      }) : () -> ()
      %dma_wait3A_25 = arith.constant 0 : i32
      %dma_wait3A_26 = arith.constant 0 : i32
      %dma_wait3A_27 = tpu.memref_slice %arg2[%dma_wait3A_25, %dma_wait3A_26] : memref<32768x128xf32, #tpu.memory_space<hbm>> -> memref<32768x128xf32, #tpu.memory_space<hbm>>
      tpu.wait_indirect_dma semaphore(%arg10 : memref<!tpu.dma_semaphore, #tpu.memory_space<semaphore_mem>>) src(%dma_wait3A_27 : memref<32768x128xf32, #tpu.memory_space<hbm>>) dst(%arg8 : memref<256x128xf32, #tpu.memory_space<vmem>>)
      %mul3A_28 = arith.constant 256 : i32
      %mul3A_29 = arith.muli %add3A_14, %mul3A_28 : i32
      %add3A_30 = arith.addi %mul3A_2, %mul3A_29 : i32
      "tpu.region"() ({
        %run_scoped3A = tpu.sem_alloc : memref<!tpu.dma_semaphore, #tpu.memory_space<semaphore_mem>>
        %dma_start3A_31 = arith.constant 0 : i32
        %dma_start3A_32 = tpu.memref_slice %arg4[%add3A_30, %dma_start3A_31] : memref<262144x128xf32, #tpu.memory_space<hbm>> -> memref<256x128xf32, #tpu.memory_space<hbm>>
        %dma_start3A_33 = arith.constant 0 : i32
        %dma_start3A_34 = tpu.memref_slice %arg4[%add3A_30, %dma_start3A_33] : memref<262144x128xf32, #tpu.memory_space<hbm>> -> memref<256x128xf32, #tpu.memory_space<hbm>>
        tpu.enqueue_dma source(%arg8 : memref<256x128xf32, #tpu.memory_space<vmem>>) target(%dma_start3A_34 : memref<256x128xf32, #tpu.memory_space<hbm>>) target_semaphore(%run_scoped3A : memref<!tpu.dma_semaphore, #tpu.memory_space<semaphore_mem>>)
        %dma_wait3A_35 = arith.constant 0 : i32
        %dma_wait3A_36 = tpu.memref_slice %arg4[%add3A_30, %dma_wait3A_35] : memref<262144x128xf32, #tpu.memory_space<hbm>> -> memref<256x128xf32, #tpu.memory_space<hbm>>
        %dma_wait3A_37 = arith.constant 0 : i32
        %dma_wait3A_38 = tpu.memref_slice %arg4[%add3A_30, %dma_wait3A_37] : memref<262144x128xf32, #tpu.memory_space<hbm>> -> memref<256x128xf32, #tpu.memory_space<hbm>>
        tpu.wait_dma2 semaphore(%run_scoped3A : memref<!tpu.dma_semaphore, #tpu.memory_space<semaphore_mem>>) src(%arg8 : memref<256x128xf32, #tpu.memory_space<vmem>>) dst(%dma_wait3A_38 : memref<256x128xf32, #tpu.memory_space<hbm>>)
        tpu.yield
      }) : () -> ()
    }
    %scan3A_7 = arith.constant 16 : i32
    return
  }
}

module attributes {stable_mosaic.version = 14 : i64} {
  func.func @_knn_body(%arg0: i32, %arg1: i32, %arg2: memref<1x8x512xf32, #tpu.memory_space<vmem>>, %arg3: memref<1x4096x8xf32, #tpu.memory_space<vmem>>, %arg4: memref<1x32x512xi32, #tpu.memory_space<vmem>>, %arg5: memref<4096x512xf32, #tpu.memory_space<vmem>>) attributes {dimension_semantics = [#tpu.dimension_semantics<arbitrary>, #tpu.dimension_semantics<arbitrary>], iteration_bounds = array<i64: 8, 2>, scalar_prefetch = 0 : i64, scratch_operands = 1 : i64, tpu.core_type = #tpu.core_type<tc>, window_params = [{transform_indices = @transform_0, window_bounds = array<i64: 1, 8, 512>}, {transform_indices = @transform_1, window_bounds = array<i64: 1, 4096, 8>}, {transform_indices = @transform_2, window_bounds = array<i64: 1, 32, 512>}]} {
    %get3A = arith.constant 0 : index
    %get3A_0 = arith.constant 0 : index
    %get3A_1 = arith.constant 0 : index
    %get3A_2 = vector.load %arg3[%get3A, %get3A_0, %get3A_1] : memref<1x4096x8xf32, #tpu.memory_space<vmem>>, vector<1x4096x8xf32>
    %get3A_3 = vector.shape_cast %get3A_2 : vector<1x4096x8xf32> to vector<4096x8xf32>
    %slice3A = vector.extract_strided_slice %get3A_3 {offsets = [0, 0], sizes = [4096, 1], strides = [1, 1]} : vector<4096x8xf32> to vector<4096x1xf32>
    %slice3A_4 = vector.extract_strided_slice %get3A_3 {offsets = [0, 1], sizes = [4096, 1], strides = [1, 1]} : vector<4096x8xf32> to vector<4096x1xf32>
    %slice3A_5 = vector.extract_strided_slice %get3A_3 {offsets = [0, 2], sizes = [4096, 1], strides = [1, 1]} : vector<4096x8xf32> to vector<4096x1xf32>
    %get3A_6 = arith.constant 0 : index
    %get3A_7 = arith.constant 0 : index
    %get3A_8 = arith.constant 0 : index
    %get3A_9 = vector.load %arg2[%get3A_6, %get3A_7, %get3A_8] : memref<1x8x512xf32, #tpu.memory_space<vmem>>, vector<1x8x512xf32>
    %get3A_10 = vector.shape_cast %get3A_9 : vector<1x8x512xf32> to vector<8x512xf32>
    %slice3A_11 = vector.extract_strided_slice %get3A_10 {offsets = [0, 0], sizes = [1, 512], strides = [1, 1]} : vector<8x512xf32> to vector<1x512xf32>
    %slice3A_12 = vector.extract_strided_slice %get3A_10 {offsets = [1, 0], sizes = [1, 512], strides = [1, 1]} : vector<8x512xf32> to vector<1x512xf32>
    %slice3A_13 = vector.extract_strided_slice %get3A_10 {offsets = [2, 0], sizes = [1, 512], strides = [1, 1]} : vector<8x512xf32> to vector<1x512xf32>
    %dot_general3A = arith.constant dense<0.000000e+00> : vector<4096x512xf32>
    %dot_general3A_14 = tpu.matmul %get3A_3, %get3A_10, %dot_general3A {dimension_numbers = #tpu.dot_dimension_numbers<[1], [0], [0], [1], [0, 0, 1, 1], [], []>, transpose_lhs_hint = false} : vector<4096x8xf32>, vector<8x512xf32>, vector<4096x512xf32> -> vector<4096x512xf32>
    %mul3A = arith.mulf %slice3A, %slice3A : vector<4096x1xf32>
    %mul3A_15 = arith.mulf %slice3A_4, %slice3A_4 : vector<4096x1xf32>
    %add3A = arith.addf %mul3A, %mul3A_15 : vector<4096x1xf32>
    %mul3A_16 = arith.mulf %slice3A_5, %slice3A_5 : vector<4096x1xf32>
    %add3A_17 = arith.addf %add3A, %mul3A_16 : vector<4096x1xf32>
    %mul3A_18 = arith.mulf %slice3A_11, %slice3A_11 : vector<1x512xf32>
    %mul3A_19 = arith.mulf %slice3A_12, %slice3A_12 : vector<1x512xf32>
    %add3A_20 = arith.addf %mul3A_18, %mul3A_19 : vector<1x512xf32>
    %mul3A_21 = arith.mulf %slice3A_13, %slice3A_13 : vector<1x512xf32>
    %add3A_22 = arith.addf %add3A_20, %mul3A_21 : vector<1x512xf32>
    %add3A_23 = vector.broadcast %add3A_22 : vector<1x512xf32> to vector<4096x512xf32>
    %add3A_24 = vector.broadcast %add3A_17 : vector<4096x1xf32> to vector<4096x512xf32>
    %add3A_25 = arith.addf %add3A_23, %add3A_24 : vector<4096x512xf32>
    %mul3A_26 = arith.constant 2.000000e+00 : f32
    %mul3A_27 = vector.broadcast %mul3A_26 : f32 to vector<4096x512xf32>
    %mul3A_28 = arith.mulf %mul3A_27, %dot_general3A_14 : vector<4096x512xf32>
    %sub3A = arith.subf %add3A_25, %mul3A_28 : vector<4096x512xf32>
    %swap3A = arith.constant 0 : index
    %swap3A_29 = arith.constant 0 : index
    %swap3A_30 = vector.load %arg5[%swap3A, %swap3A_29] : memref<4096x512xf32, #tpu.memory_space<vmem>>, vector<4096x512xf32>
    tpu.vector_store %arg5[%swap3A, %swap3A_29], %sub3A {strides = array<i32>} : memref<4096x512xf32, #tpu.memory_space<vmem>>, vector<4096x512xf32>,
    %iota3A = tpu.iota {dimensions = array<i32: 0>} : vector<4096x512xi32>
    %mul3A_31 = arith.constant 4096 : i32
    %mul3A_32 = arith.muli %arg0, %mul3A_31 : i32
    %reshape3A = vector.shape_cast %sub3A : vector<4096x512xf32> to vector<512x8x512xf32>
    %reduce_min3A = arith.constant dense<0x7F800000> : vector<8x512xf32>
    %reduce_min3A_33 = vector.multi_reduction <minimumf>, %reshape3A, %reduce_min3A [0] : vector<512x8x512xf32> to vector<8x512xf32>
    %reduce_min3A_34 = arith.constant dense<0x7F800000> : vector<512xf32>
    %reduce_min3A_35 = vector.multi_reduction <minimumf>, %reduce_min3A_33, %reduce_min3A_34 [0] : vector<8x512xf32> to vector<512xf32>
    %broadcast_in_dim3A = vector.shape_cast %reduce_min3A_35 : vector<512xf32> to vector<1x512xf32>
    %scan3A = arith.constant 0 : i32
    %scan3A_36 = arith.constant 32 : i32
    %scan3A_37 = arith.addi %scan3A, %scan3A_36 : i32
    %scan3A_38 = arith.constant 1 : i32
    %scan3A_39 = scf.for %scan3A_41 = %scan3A to %scan3A_37 step %scan3A_38 iter_args(%scan3A_42 = %broadcast_in_dim3A) -> (vector<1x512xf32>)  : i32 {
      %get3A_43 = arith.constant 0 : index
      %get3A_44 = arith.constant 0 : index
      %get3A_45 = vector.load %arg5[%get3A_43, %get3A_44] : memref<4096x512xf32, #tpu.memory_space<vmem>>, vector<4096x512xf32>
      %le3A = vector.broadcast %scan3A_42 : vector<1x512xf32> to vector<4096x512xf32>
      %le3A_46 = arith.cmpf ole, %get3A_45, %le3A : vector<4096x512xf32>
      %jit3A = arith.constant 4096 : i32
      %broadcast_in_dim3A_47 = vector.broadcast %jit3A : i32 to vector<4096x512xi32>
      %select_n3A = arith.select %le3A_46, %iota3A, %broadcast_in_dim3A_47 : vector<4096x512xi1>, vector<4096x512xi32>
      %reshape3A_48 = vector.shape_cast %select_n3A : vector<4096x512xi32> to vector<512x8x512xi32>
      %reduce_min3A_49 = arith.constant dense<2147483647> : vector<8x512xi32>
      %reduce_min3A_50 = vector.multi_reduction <minsi>, %reshape3A_48, %reduce_min3A_49 [0] : vector<512x8x512xi32> to vector<8x512xi32>
      %reduce_min3A_51 = arith.constant dense<2147483647> : vector<512xi32>
      %reduce_min3A_52 = vector.multi_reduction <minsi>, %reduce_min3A_50, %reduce_min3A_51 [0] : vector<8x512xi32> to vector<512xi32>
      %broadcast_in_dim3A_53 = vector.shape_cast %reduce_min3A_52 : vector<512xi32> to vector<1x512xi32>
      %add3A_54 = vector.broadcast %mul3A_32 : i32 to vector<1x512xi32>
      %add3A_55 = arith.addi %broadcast_in_dim3A_53, %add3A_54 : vector<1x512xi32>
      %swap3A_56 = arith.constant 0 : index
      %swap3A_57 = arith.index_cast %scan3A_41 : i32 to index
      %swap3A_58 = arith.constant 0 : index
      %swap3A_59 = vector.load %arg4[%swap3A_56, %swap3A_57, %swap3A_58] : memref<1x32x512xi32, #tpu.memory_space<vmem>>, vector<1x1x512xi32>
      %swap3A_60 = vector.shape_cast %swap3A_59 : vector<1x1x512xi32> to vector<1x512xi32>
      %swap3A_61 = vector.shape_cast %add3A_55 : vector<1x512xi32> to vector<1x1x512xi32>
      tpu.vector_store %arg4[%swap3A_56, %swap3A_57, %swap3A_58], %swap3A_61 {strides = array<i32>} : memref<1x32x512xi32, #tpu.memory_space<vmem>>, vector<1x1x512xi32>,
      %eq3A = vector.broadcast %broadcast_in_dim3A_53 : vector<1x512xi32> to vector<4096x512xi32>
      %eq3A_62 = arith.cmpi eq, %iota3A, %eq3A : vector<4096x512xi32>
      %jit3A_63 = arith.constant 0x7F800000 : f32
      %broadcast_in_dim3A_64 = vector.broadcast %jit3A_63 : f32 to vector<4096x512xf32>
      %select_n3A_65 = arith.select %eq3A_62, %broadcast_in_dim3A_64, %get3A_45 : vector<4096x512xi1>, vector<4096x512xf32>
      %swap3A_66 = arith.constant 0 : index
      %swap3A_67 = arith.constant 0 : index
      %swap3A_68 = vector.load %arg5[%swap3A_66, %swap3A_67] : memref<4096x512xf32, #tpu.memory_space<vmem>>, vector<4096x512xf32>
      tpu.vector_store %arg5[%swap3A_66, %swap3A_67], %select_n3A_65 {strides = array<i32>} : memref<4096x512xf32, #tpu.memory_space<vmem>>, vector<4096x512xf32>,
      %reshape3A_69 = vector.shape_cast %select_n3A_65 : vector<4096x512xf32> to vector<512x8x512xf32>
      %reduce_min3A_70 = arith.constant dense<0x7F800000> : vector<8x512xf32>
      %reduce_min3A_71 = vector.multi_reduction <minimumf>, %reshape3A_69, %reduce_min3A_70 [0] : vector<512x8x512xf32> to vector<8x512xf32>
      %reduce_min3A_72 = arith.constant dense<0x7F800000> : vector<512xf32>
      %reduce_min3A_73 = vector.multi_reduction <minimumf>, %reduce_min3A_71, %reduce_min3A_72 [0] : vector<8x512xf32> to vector<512xf32>
      %broadcast_in_dim3A_74 = vector.shape_cast %reduce_min3A_73 : vector<512xf32> to vector<1x512xf32>
      scf.yield %broadcast_in_dim3A_74 : vector<1x512xf32>
    }
    %scan3A_40 = arith.constant 32 : i32
    return
  }
  func.func @transform_0(%arg0: i32, %arg1: i32) -> (i32, i32, i32) {
    %c0_i32 = arith.constant 0 : i32
    %c0_i32_0 = arith.constant 0 : i32
    return %arg0, %c0_i32, %arg1 : i32, i32, i32
  }
  func.func @transform_1(%arg0: i32, %arg1: i32) -> (i32, i32, i32) {
    %c0_i32 = arith.constant 0 : i32
    %c0_i32_0 = arith.constant 0 : i32
    %c0_i32_1 = arith.constant 0 : i32
    return %arg0, %c0_i32, %c0_i32_0 : i32, i32, i32
  }
  func.func @transform_2(%arg0: i32, %arg1: i32) -> (i32, i32, i32) {
    %c0_i32 = arith.constant 0 : i32
    %c0_i32_0 = arith.constant 0 : i32
    return %arg0, %c0_i32, %arg1 : i32, i32, i32
  }
}

module attributes {stable_mosaic.version = 14 : i64} {
  func.func @_stats1_body(%arg0: i32, %arg1: i32, %arg2: memref<1x32x64x128xf32, #tpu.memory_space<vmem>>, %arg3: memref<1x64x128xf32, #tpu.memory_space<vmem>>, %arg4: memref<128x256xf32, #tpu.memory_space<vmem>>, %arg5: memref<128x256xf32, #tpu.memory_space<vmem>>, %arg6: memref<1x256xf32, #tpu.memory_space<vmem>>, %arg7: memref<2x256xf32, #tpu.memory_space<vmem>>) attributes {dimension_semantics = [#tpu.dimension_semantics<arbitrary>, #tpu.dimension_semantics<arbitrary>], iteration_bounds = array<i64: 8, 16>, scalar_prefetch = 0 : i64, scratch_operands = 0 : i64, tpu.core_type = #tpu.core_type<tc>, window_params = [{transform_indices = @transform_0, window_bounds = array<i64: 1, 32, 64, 128>}, {transform_indices = @transform_1, window_bounds = array<i64: 1, 64, 128>}, {pipeline_mode = #tpu.pipeline_mode<synchronous>, transform_indices = @transform_2, window_bounds = array<i64: 128, 256>}, {pipeline_mode = #tpu.pipeline_mode<synchronous>, transform_indices = @transform_3, window_bounds = array<i64: 128, 256>}, {pipeline_mode = #tpu.pipeline_mode<synchronous>, transform_indices = @transform_4, window_bounds = array<i64: 1, 256>}, {pipeline_mode = #tpu.pipeline_mode<synchronous>, transform_indices = @transform_5, window_bounds = array<i64: 2, 256>}]} {
    %get3A = arith.constant 0 : index
    %get3A_0 = arith.constant 0 : index
    %get3A_1 = arith.constant 0 : index
    %get3A_2 = arith.constant 0 : index
    %get3A_3 = vector.load %arg2[%get3A, %get3A_0, %get3A_1, %get3A_2] : memref<1x32x64x128xf32, #tpu.memory_space<vmem>>, vector<1x32x64x128xf32>
    %get3A_4 = vector.shape_cast %get3A_3 : vector<1x32x64x128xf32> to vector<32x64x128xf32>
    %reshape3A = vector.shape_cast %get3A_4 : vector<32x64x128xf32> to vector<2048x128xf32>
    %get3A_5 = arith.constant 0 : index
    %get3A_6 = arith.constant 0 : index
    %get3A_7 = vector.load %arg4[%get3A_5, %get3A_6] : memref<128x256xf32, #tpu.memory_space<vmem>>, vector<128x256xf32>
    %dot_general3A = arith.constant dense<0.000000e+00> : vector<2048x256xf32>
    %dot_general3A_8 = tpu.matmul %reshape3A, %get3A_7, %dot_general3A {dimension_numbers = #tpu.dot_dimension_numbers<[1], [0], [0], [1], [0, 0, 1, 1], [], []>, transpose_lhs_hint = false} : vector<2048x128xf32>, vector<128x256xf32>, vector<2048x256xf32> -> vector<2048x256xf32>
    %get3A_9 = arith.constant 0 : index
    %get3A_10 = arith.constant 0 : index
    %get3A_11 = arith.constant 0 : index
    %get3A_12 = vector.load %arg3[%get3A_9, %get3A_10, %get3A_11] : memref<1x64x128xf32, #tpu.memory_space<vmem>>, vector<1x64x128xf32>
    %get3A_13 = vector.shape_cast %get3A_12 : vector<1x64x128xf32> to vector<64x128xf32>
    %get3A_14 = arith.constant 0 : index
    %get3A_15 = arith.constant 0 : index
    %get3A_16 = vector.load %arg5[%get3A_14, %get3A_15] : memref<128x256xf32, #tpu.memory_space<vmem>>, vector<128x256xf32>
    %dot_general3A_17 = arith.constant dense<0.000000e+00> : vector<64x256xf32>
    %dot_general3A_18 = tpu.matmul %get3A_13, %get3A_16, %dot_general3A_17 {dimension_numbers = #tpu.dot_dimension_numbers<[1], [0], [0], [1], [0, 0, 1, 1], [], []>, transpose_lhs_hint = false} : vector<64x128xf32>, vector<128x256xf32>, vector<64x256xf32> -> vector<64x256xf32>
    %get3A_19 = arith.constant 0 : index
    %get3A_20 = arith.constant 0 : index
    %get3A_21 = vector.load %arg6[%get3A_19, %get3A_20] : memref<1x256xf32, #tpu.memory_space<vmem>>, vector<1x256xf32>
    %add3A = vector.broadcast %get3A_21 : vector<1x256xf32> to vector<64x256xf32>
    %add3A_22 = arith.addf %dot_general3A_18, %add3A : vector<64x256xf32>
    %reshape3A_23 = vector.shape_cast %dot_general3A_8 : vector<2048x256xf32> to vector<32x64x256xf32>
    %broadcast_in_dim3A = vector.shape_cast %add3A_22 : vector<64x256xf32> to vector<1x64x256xf32>
    %add3A_24 = vector.broadcast %broadcast_in_dim3A : vector<1x64x256xf32> to vector<32x64x256xf32>
    %add3A_25 = arith.addf %reshape3A_23, %add3A_24 : vector<32x64x256xf32>
    %reshape3A_26 = vector.shape_cast %add3A_25 : vector<32x64x256xf32> to vector<2048x256xf32>
    %reduce_sum3A = arith.constant dense<0.000000e+00> : vector<256xf32>
    %reduce_sum3A_27 = vector.multi_reduction <add>, %reshape3A_26, %reduce_sum3A [0] : vector<2048x256xf32> to vector<256xf32>
    %broadcast_in_dim3A_28 = vector.shape_cast %reduce_sum3A_27 : vector<256xf32> to vector<1x256xf32>
    %mul3A = arith.mulf %reshape3A_26, %reshape3A_26 : vector<2048x256xf32>
    %reduce_sum3A_29 = arith.constant dense<0.000000e+00> : vector<256xf32>
    %reduce_sum3A_30 = vector.multi_reduction <add>, %mul3A, %reduce_sum3A_29 [0] : vector<2048x256xf32> to vector<256xf32>
    %broadcast_in_dim3A_31 = vector.shape_cast %reduce_sum3A_30 : vector<256xf32> to vector<1x256xf32>
    %concatenate3A = tpu.concatenate %broadcast_in_dim3A_28, %broadcast_in_dim3A_31 in 0 : vector<1x256xf32>, vector<1x256xf32> -> vector<2x256xf32>
    %eq3A = arith.constant 0 : i32
    %eq3A_32 = arith.cmpi eq, %arg0, %eq3A : i32
    %eq3A_33 = arith.constant 0 : i32
    %eq3A_34 = arith.cmpi eq, %arg1, %eq3A_33 : i32
    %and3A = arith.andi %eq3A_32, %eq3A_34 : i1
    %convert_element_type3A = arith.extui %and3A : i1 to i32
    %cond3A = arith.constant 0 : i32
    %cond3A_35 = arith.cmpi ne, %convert_element_type3A, %cond3A : i32
    scf.if %cond3A_35 {
      %swap3A = arith.constant 0 : index
      %swap3A_40 = arith.constant 0 : index
      %swap3A_41 = vector.load %arg7[%swap3A, %swap3A_40] : memref<2x256xf32, #tpu.memory_space<vmem>>, vector<2x256xf32>
      tpu.vector_store %arg7[%swap3A, %swap3A_40], %concatenate3A {strides = array<i32>} : memref<2x256xf32, #tpu.memory_space<vmem>>, vector<2x256xf32>,
    } else {
    }
    %not3A = arith.constant true
    %not3A_36 = arith.xori %and3A, %not3A : i1
    %convert_element_type3A_37 = arith.extui %not3A_36 : i1 to i32
    %cond3A_38 = arith.constant 0 : i32
    %cond3A_39 = arith.cmpi ne, %convert_element_type3A_37, %cond3A_38 : i32
    scf.if %cond3A_39 {
      %get3A_40 = arith.constant 0 : index
      %get3A_41 = arith.constant 0 : index
      %get3A_42 = vector.load %arg7[%get3A_40, %get3A_41] : memref<2x256xf32, #tpu.memory_space<vmem>>, vector<2x256xf32>
      %add3A_43 = arith.addf %get3A_42, %concatenate3A : vector<2x256xf32>
      %swap3A = arith.constant 0 : index
      %swap3A_44 = arith.constant 0 : index
      %swap3A_45 = vector.load %arg7[%swap3A, %swap3A_44] : memref<2x256xf32, #tpu.memory_space<vmem>>, vector<2x256xf32>
      tpu.vector_store %arg7[%swap3A, %swap3A_44], %add3A_43 {strides = array<i32>} : memref<2x256xf32, #tpu.memory_space<vmem>>, vector<2x256xf32>,
    } else {
    }
    return
  }
  func.func @transform_0(%arg0: i32, %arg1: i32) -> (i32, i32, i32, i32) {
    %c0_i32 = arith.constant 0 : i32
    %c0_i32_0 = arith.constant 0 : i32
    %c0_i32_1 = arith.constant 0 : i32
    return %arg0, %c0_i32, %arg1, %c0_i32_0 : i32, i32, i32, i32
  }
  func.func @transform_1(%arg0: i32, %arg1: i32) -> (i32, i32, i32) {
    %c0_i32 = arith.constant 0 : i32
    %c0_i32_0 = arith.constant 0 : i32
    return %arg0, %arg1, %c0_i32 : i32, i32, i32
  }
  func.func @transform_2(%arg0: i32, %arg1: i32) -> (i32, i32) {
    %c0_i32 = arith.constant 0 : i32
    %c0_i32_0 = arith.constant 0 : i32
    %c0_i32_1 = arith.constant 0 : i32
    return %c0_i32, %c0_i32_0 : i32, i32
  }
  func.func @transform_3(%arg0: i32, %arg1: i32) -> (i32, i32) {
    %c0_i32 = arith.constant 0 : i32
    %c0_i32_0 = arith.constant 0 : i32
    %c0_i32_1 = arith.constant 0 : i32
    return %c0_i32, %c0_i32_0 : i32, i32
  }
  func.func @transform_4(%arg0: i32, %arg1: i32) -> (i32, i32) {
    %c0_i32 = arith.constant 0 : i32
    %c0_i32_0 = arith.constant 0 : i32
    %c0_i32_1 = arith.constant 0 : i32
    return %c0_i32, %c0_i32_0 : i32, i32
  }
  func.func @transform_5(%arg0: i32, %arg1: i32) -> (i32, i32) {
    %c0_i32 = arith.constant 0 : i32
    %c0_i32_0 = arith.constant 0 : i32
    %c0_i32_1 = arith.constant 0 : i32
    return %c0_i32, %c0_i32_0 : i32, i32
  }
}

module attributes {stable_mosaic.version = 14 : i64} {
  func.func @_layer2_body(%arg0: i32, %arg1: i32, %arg2: memref<1x32x64x128xf32, #tpu.memory_space<vmem>>, %arg3: memref<1x64x128xf32, #tpu.memory_space<vmem>>, %arg4: memref<128x256xf32, #tpu.memory_space<vmem>>, %arg5: memref<128x256xf32, #tpu.memory_space<vmem>>, %arg6: memref<1x256xf32, #tpu.memory_space<vmem>>, %arg7: memref<2x256xf32, #tpu.memory_space<vmem>>, %arg8: memref<1x256xf32, #tpu.memory_space<vmem>>, %arg9: memref<1x256xf32, #tpu.memory_space<vmem>>, %arg10: memref<256x256xf32, #tpu.memory_space<vmem>>, %arg11: memref<1x256xf32, #tpu.memory_space<vmem>>, %arg12: memref<1x64x256xf32, #tpu.memory_space<vmem>>, %arg13: memref<1x64x256xf32, #tpu.memory_space<vmem>>, %arg14: memref<2x256xf32, #tpu.memory_space<vmem>>) attributes {dimension_semantics = [#tpu.dimension_semantics<arbitrary>, #tpu.dimension_semantics<arbitrary>], iteration_bounds = array<i64: 8, 16>, scalar_prefetch = 0 : i64, scratch_operands = 0 : i64, tpu.core_type = #tpu.core_type<tc>, window_params = [{transform_indices = @transform_0, window_bounds = array<i64: 1, 32, 64, 128>}, {transform_indices = @transform_1, window_bounds = array<i64: 1, 64, 128>}, {pipeline_mode = #tpu.pipeline_mode<synchronous>, transform_indices = @transform_2, window_bounds = array<i64: 128, 256>}, {pipeline_mode = #tpu.pipeline_mode<synchronous>, transform_indices = @transform_3, window_bounds = array<i64: 128, 256>}, {pipeline_mode = #tpu.pipeline_mode<synchronous>, transform_indices = @transform_4, window_bounds = array<i64: 1, 256>}, {pipeline_mode = #tpu.pipeline_mode<synchronous>, transform_indices = @transform_5, window_bounds = array<i64: 2, 256>}, {pipeline_mode = #tpu.pipeline_mode<synchronous>, transform_indices = @transform_6, window_bounds = array<i64: 1, 256>}, {pipeline_mode = #tpu.pipeline_mode<synchronous>, transform_indices = @transform_7, window_bounds = array<i64: 1, 256>}, {pipeline_mode = #tpu.pipeline_mode<synchronous>, transform_indices = @transform_8, window_bounds = array<i64: 256, 256>}, {pipeline_mode = #tpu.pipeline_mode<synchronous>, transform_indices = @transform_9, window_bounds = array<i64: 1, 256>}, {transform_indices = @transform_10, window_bounds = array<i64: 1, 64, 256>}, {transform_indices = @transform_11, window_bounds = array<i64: 1, 64, 256>}, {pipeline_mode = #tpu.pipeline_mode<synchronous>, transform_indices = @transform_12, window_bounds = array<i64: 2, 256>}]} {
    %get3A = arith.constant 0 : index
    %get3A_0 = arith.constant 0 : index
    %get3A_1 = vector.load %arg7[%get3A, %get3A_0] : memref<2x256xf32, #tpu.memory_space<vmem>>, vector<1x256xf32>
    %mul3A = arith.constant 3.81469727E-6 : f32
    %mul3A_2 = vector.broadcast %mul3A : f32 to vector<1x256xf32>
    %mul3A_3 = arith.mulf %get3A_1, %mul3A_2 : vector<1x256xf32>
    %get3A_4 = arith.constant 1 : index
    %get3A_5 = arith.constant 0 : index
    %get3A_6 = vector.load %arg7[%get3A_4, %get3A_5] : memref<2x256xf32, #tpu.memory_space<vmem>>, vector<1x256xf32>
    %mul3A_7 = arith.constant 3.81469727E-6 : f32
    %mul3A_8 = vector.broadcast %mul3A_7 : f32 to vector<1x256xf32>
    %mul3A_9 = arith.mulf %get3A_6, %mul3A_8 : vector<1x256xf32>
    %mul3A_10 = arith.mulf %mul3A_3, %mul3A_3 : vector<1x256xf32>
    %sub3A = arith.subf %mul3A_9, %mul3A_10 : vector<1x256xf32>
    %get3A_11 = arith.constant 0 : index
    %get3A_12 = arith.constant 0 : index
    %get3A_13 = vector.load %arg8[%get3A_11, %get3A_12] : memref<1x256xf32, #tpu.memory_space<vmem>>, vector<1x256xf32>
    %add3A = arith.constant 9.99999974E-6 : f32
    %add3A_14 = vector.broadcast %add3A : f32 to vector<1x256xf32>
    %add3A_15 = arith.addf %sub3A, %add3A_14 : vector<1x256xf32>
    %sqrt3A = math.sqrt %add3A_15 : vector<1x256xf32>
    %div3A = arith.divf %get3A_13, %sqrt3A : vector<1x256xf32>
    %get3A_16 = arith.constant 0 : index
    %get3A_17 = arith.constant 0 : index
    %get3A_18 = vector.load %arg9[%get3A_16, %get3A_17] : memref<1x256xf32, #tpu.memory_space<vmem>>, vector<1x256xf32>
    %mul3A_19 = arith.mulf %mul3A_3, %div3A : vector<1x256xf32>
    %sub3A_20 = arith.subf %get3A_18, %mul3A_19 : vector<1x256xf32>
    %get3A_21 = arith.constant 0 : index
    %get3A_22 = arith.constant 0 : index
    %get3A_23 = arith.constant 0 : index
    %get3A_24 = arith.constant 0 : index
    %get3A_25 = vector.load %arg2[%get3A_21, %get3A_22, %get3A_23, %get3A_24] : memref<1x32x64x128xf32, #tpu.memory_space<vmem>>, vector<1x32x64x128xf32>
    %get3A_26 = vector.shape_cast %get3A_25 : vector<1x32x64x128xf32> to vector<32x64x128xf32>
    %reshape3A = vector.shape_cast %get3A_26 : vector<32x64x128xf32> to vector<2048x128xf32>
    %get3A_27 = arith.constant 0 : index
    %get3A_28 = arith.constant 0 : index
    %get3A_29 = vector.load %arg4[%get3A_27, %get3A_28] : memref<128x256xf32, #tpu.memory_space<vmem>>, vector<128x256xf32>
    %dot_general3A = arith.constant dense<0.000000e+00> : vector<2048x256xf32>
    %dot_general3A_30 = tpu.matmul %reshape3A, %get3A_29, %dot_general3A {dimension_numbers = #tpu.dot_dimension_numbers<[1], [0], [0], [1], [0, 0, 1, 1], [], []>, transpose_lhs_hint = false} : vector<2048x128xf32>, vector<128x256xf32>, vector<2048x256xf32> -> vector<2048x256xf32>
    %get3A_31 = arith.constant 0 : index
    %get3A_32 = arith.constant 0 : index
    %get3A_33 = arith.constant 0 : index
    %get3A_34 = vector.load %arg3[%get3A_31, %get3A_32, %get3A_33] : memref<1x64x128xf32, #tpu.memory_space<vmem>>, vector<1x64x128xf32>
    %get3A_35 = vector.shape_cast %get3A_34 : vector<1x64x128xf32> to vector<64x128xf32>
    %get3A_36 = arith.constant 0 : index
    %get3A_37 = arith.constant 0 : index
    %get3A_38 = vector.load %arg5[%get3A_36, %get3A_37] : memref<128x256xf32, #tpu.memory_space<vmem>>, vector<128x256xf32>
    %dot_general3A_39 = arith.constant dense<0.000000e+00> : vector<64x256xf32>
    %dot_general3A_40 = tpu.matmul %get3A_35, %get3A_38, %dot_general3A_39 {dimension_numbers = #tpu.dot_dimension_numbers<[1], [0], [0], [1], [0, 0, 1, 1], [], []>, transpose_lhs_hint = false} : vector<64x128xf32>, vector<128x256xf32>, vector<64x256xf32> -> vector<64x256xf32>
    %get3A_41 = arith.constant 0 : index
    %get3A_42 = arith.constant 0 : index
    %get3A_43 = vector.load %arg6[%get3A_41, %get3A_42] : memref<1x256xf32, #tpu.memory_space<vmem>>, vector<1x256xf32>
    %add3A_44 = vector.broadcast %get3A_43 : vector<1x256xf32> to vector<64x256xf32>
    %add3A_45 = arith.addf %dot_general3A_40, %add3A_44 : vector<64x256xf32>
    %reshape3A_46 = vector.shape_cast %dot_general3A_30 : vector<2048x256xf32> to vector<32x64x256xf32>
    %broadcast_in_dim3A = vector.shape_cast %add3A_45 : vector<64x256xf32> to vector<1x64x256xf32>
    %add3A_47 = vector.broadcast %broadcast_in_dim3A : vector<1x64x256xf32> to vector<32x64x256xf32>
    %add3A_48 = arith.addf %reshape3A_46, %add3A_47 : vector<32x64x256xf32>
    %reshape3A_49 = vector.shape_cast %add3A_48 : vector<32x64x256xf32> to vector<2048x256xf32>
    %mul3A_50 = vector.broadcast %div3A : vector<1x256xf32> to vector<2048x256xf32>
    %mul3A_51 = arith.mulf %reshape3A_49, %mul3A_50 : vector<2048x256xf32>
    %add3A_52 = vector.broadcast %sub3A_20 : vector<1x256xf32> to vector<2048x256xf32>
    %add3A_53 = arith.addf %mul3A_51, %add3A_52 : vector<2048x256xf32>
    %max3A = arith.constant 0.000000e+00 : f32
    %max3A_54 = vector.broadcast %max3A : f32 to vector<2048x256xf32>
    %max3A_55 = arith.maximumf %add3A_53, %max3A_54 : vector<2048x256xf32>
    %get3A_56 = arith.constant 0 : index
    %get3A_57 = arith.constant 0 : index
    %get3A_58 = vector.load %arg10[%get3A_56, %get3A_57] : memref<256x256xf32, #tpu.memory_space<vmem>>, vector<256x256xf32>
    %dot_general3A_59 = arith.constant dense<0.000000e+00> : vector<2048x256xf32>
    %dot_general3A_60 = tpu.matmul %max3A_55, %get3A_58, %dot_general3A_59 {dimension_numbers = #tpu.dot_dimension_numbers<[1], [0], [0], [1], [0, 0, 1, 1], [], []>, transpose_lhs_hint = false} : vector<2048x256xf32>, vector<256x256xf32>, vector<2048x256xf32> -> vector<2048x256xf32>
    %get3A_61 = arith.constant 0 : index
    %get3A_62 = arith.constant 0 : index
    %get3A_63 = vector.load %arg11[%get3A_61, %get3A_62] : memref<1x256xf32, #tpu.memory_space<vmem>>, vector<1x256xf32>
    %add3A_64 = vector.broadcast %get3A_63 : vector<1x256xf32> to vector<2048x256xf32>
    %add3A_65 = arith.addf %dot_general3A_60, %add3A_64 : vector<2048x256xf32>
    %reshape3A_66 = vector.shape_cast %add3A_65 : vector<2048x256xf32> to vector<32x64x256xf32>
    %reduce_max3A = arith.constant dense<0xFF800000> : vector<64x256xf32>
    %reduce_max3A_67 = vector.multi_reduction <maximumf>, %reshape3A_66, %reduce_max3A [0] : vector<32x64x256xf32> to vector<64x256xf32>
    %swap3A = arith.constant 0 : index
    %swap3A_68 = arith.constant 0 : index
    %swap3A_69 = arith.constant 0 : index
    %swap3A_70 = vector.load %arg12[%swap3A, %swap3A_68, %swap3A_69] : memref<1x64x256xf32, #tpu.memory_space<vmem>>, vector<1x64x256xf32>
    %swap3A_71 = vector.shape_cast %swap3A_70 : vector<1x64x256xf32> to vector<64x256xf32>
    %swap3A_72 = vector.shape_cast %reduce_max3A_67 : vector<64x256xf32> to vector<1x64x256xf32>
    tpu.vector_store %arg12[%swap3A, %swap3A_68, %swap3A_69], %swap3A_72 {strides = array<i32>} : memref<1x64x256xf32, #tpu.memory_space<vmem>>, vector<1x64x256xf32>,
    %reduce_min3A = arith.constant dense<0x7F800000> : vector<64x256xf32>
    %reduce_min3A_73 = vector.multi_reduction <minimumf>, %reshape3A_66, %reduce_min3A [0] : vector<32x64x256xf32> to vector<64x256xf32>
    %swap3A_74 = arith.constant 0 : index
    %swap3A_75 = arith.constant 0 : index
    %swap3A_76 = arith.constant 0 : index
    %swap3A_77 = vector.load %arg13[%swap3A_74, %swap3A_75, %swap3A_76] : memref<1x64x256xf32, #tpu.memory_space<vmem>>, vector<1x64x256xf32>
    %swap3A_78 = vector.shape_cast %swap3A_77 : vector<1x64x256xf32> to vector<64x256xf32>
    %swap3A_79 = vector.shape_cast %reduce_min3A_73 : vector<64x256xf32> to vector<1x64x256xf32>
    tpu.vector_store %arg13[%swap3A_74, %swap3A_75, %swap3A_76], %swap3A_79 {strides = array<i32>} : memref<1x64x256xf32, #tpu.memory_space<vmem>>, vector<1x64x256xf32>,
    %reduce_sum3A = arith.constant dense<0.000000e+00> : vector<256xf32>
    %reduce_sum3A_80 = vector.multi_reduction <add>, %add3A_65, %reduce_sum3A [0] : vector<2048x256xf32> to vector<256xf32>
    %broadcast_in_dim3A_81 = vector.shape_cast %reduce_sum3A_80 : vector<256xf32> to vector<1x256xf32>
    %mul3A_82 = arith.mulf %add3A_65, %add3A_65 : vector<2048x256xf32>
    %reduce_sum3A_83 = arith.constant dense<0.000000e+00> : vector<256xf32>
    %reduce_sum3A_84 = vector.multi_reduction <add>, %mul3A_82, %reduce_sum3A_83 [0] : vector<2048x256xf32> to vector<256xf32>
    %broadcast_in_dim3A_85 = vector.shape_cast %reduce_sum3A_84 : vector<256xf32> to vector<1x256xf32>
    %concatenate3A = tpu.concatenate %broadcast_in_dim3A_81, %broadcast_in_dim3A_85 in 0 : vector<1x256xf32>, vector<1x256xf32> -> vector<2x256xf32>
    %eq3A = arith.constant 0 : i32
    %eq3A_86 = arith.cmpi eq, %arg0, %eq3A : i32
    %eq3A_87 = arith.constant 0 : i32
    %eq3A_88 = arith.cmpi eq, %arg1, %eq3A_87 : i32
    %and3A = arith.andi %eq3A_86, %eq3A_88 : i1
    %convert_element_type3A = arith.extui %and3A : i1 to i32
    %cond3A = arith.constant 0 : i32
    %cond3A_89 = arith.cmpi ne, %convert_element_type3A, %cond3A : i32
    scf.if %cond3A_89 {
      %swap3A_94 = arith.constant 0 : index
      %swap3A_95 = arith.constant 0 : index
      %swap3A_96 = vector.load %arg14[%swap3A_94, %swap3A_95] : memref<2x256xf32, #tpu.memory_space<vmem>>, vector<2x256xf32>
      tpu.vector_store %arg14[%swap3A_94, %swap3A_95], %concatenate3A {strides = array<i32>} : memref<2x256xf32, #tpu.memory_space<vmem>>, vector<2x256xf32>,
    } else {
    }
    %not3A = arith.constant true
    %not3A_90 = arith.xori %and3A, %not3A : i1
    %convert_element_type3A_91 = arith.extui %not3A_90 : i1 to i32
    %cond3A_92 = arith.constant 0 : i32
    %cond3A_93 = arith.cmpi ne, %convert_element_type3A_91, %cond3A_92 : i32
    scf.if %cond3A_93 {
      %get3A_94 = arith.constant 0 : index
      %get3A_95 = arith.constant 0 : index
      %get3A_96 = vector.load %arg14[%get3A_94, %get3A_95] : memref<2x256xf32, #tpu.memory_space<vmem>>, vector<2x256xf32>
      %add3A_97 = arith.addf %get3A_96, %concatenate3A : vector<2x256xf32>
      %swap3A_98 = arith.constant 0 : index
      %swap3A_99 = arith.constant 0 : index
      %swap3A_100 = vector.load %arg14[%swap3A_98, %swap3A_99] : memref<2x256xf32, #tpu.memory_space<vmem>>, vector<2x256xf32>
      tpu.vector_store %arg14[%swap3A_98, %swap3A_99], %add3A_97 {strides = array<i32>} : memref<2x256xf32, #tpu.memory_space<vmem>>, vector<2x256xf32>,
    } else {
    }
    return
  }
  func.func @transform_0(%arg0: i32, %arg1: i32) -> (i32, i32, i32, i32) {
    %c0_i32 = arith.constant 0 : i32
    %c0_i32_0 = arith.constant 0 : i32
    %c0_i32_1 = arith.constant 0 : i32
    return %arg0, %c0_i32, %arg1, %c0_i32_0 : i32, i32, i32, i32
  }
  func.func @transform_1(%arg0: i32, %arg1: i32) -> (i32, i32, i32) {
    %c0_i32 = arith.constant 0 : i32
    %c0_i32_0 = arith.constant 0 : i32
    return %arg0, %arg1, %c0_i32 : i32, i32, i32
  }
  func.func @transform_2(%arg0: i32, %arg1: i32) -> (i32, i32) {
    %c0_i32 = arith.constant 0 : i32
    %c0_i32_0 = arith.constant 0 : i32
    %c0_i32_1 = arith.constant 0 : i32
    return %c0_i32, %c0_i32_0 : i32, i32
  }
  func.func @transform_3(%arg0: i32, %arg1: i32) -> (i32, i32) {
    %c0_i32 = arith.constant 0 : i32
    %c0_i32_0 = arith.constant 0 : i32
    %c0_i32_1 = arith.constant 0 : i32
    return %c0_i32, %c0_i32_0 : i32, i32
  }
  func.func @transform_4(%arg0: i32, %arg1: i32) -> (i32, i32) {
    %c0_i32 = arith.constant 0 : i32
    %c0_i32_0 = arith.constant 0 : i32
    %c0_i32_1 = arith.constant 0 : i32
    return %c0_i32, %c0_i32_0 : i32, i32
  }
  func.func @transform_5(%arg0: i32, %arg1: i32) -> (i32, i32) {
    %c0_i32 = arith.constant 0 : i32
    %c0_i32_0 = arith.constant 0 : i32
    %c0_i32_1 = arith.constant 0 : i32
    return %c0_i32, %c0_i32_0 : i32, i32
  }
  func.func @transform_6(%arg0: i32, %arg1: i32) -> (i32, i32) {
    %c0_i32 = arith.constant 0 : i32
    %c0_i32_0 = arith.constant 0 : i32
    %c0_i32_1 = arith.constant 0 : i32
    return %c0_i32, %c0_i32_0 : i32, i32
  }
  func.func @transform_7(%arg0: i32, %arg1: i32) -> (i32, i32) {
    %c0_i32 = arith.constant 0 : i32
    %c0_i32_0 = arith.constant 0 : i32
    %c0_i32_1 = arith.constant 0 : i32
    return %c0_i32, %c0_i32_0 : i32, i32
  }
  func.func @transform_8(%arg0: i32, %arg1: i32) -> (i32, i32) {
    %c0_i32 = arith.constant 0 : i32
    %c0_i32_0 = arith.constant 0 : i32
    %c0_i32_1 = arith.constant 0 : i32
    return %c0_i32, %c0_i32_0 : i32, i32
  }
  func.func @transform_9(%arg0: i32, %arg1: i32) -> (i32, i32) {
    %c0_i32 = arith.constant 0 : i32
    %c0_i32_0 = arith.constant 0 : i32
    %c0_i32_1 = arith.constant 0 : i32
    return %c0_i32, %c0_i32_0 : i32, i32
  }
  func.func @transform_10(%arg0: i32, %arg1: i32) -> (i32, i32, i32) {
    %c0_i32 = arith.constant 0 : i32
    %c0_i32_0 = arith.constant 0 : i32
    return %arg0, %arg1, %c0_i32 : i32, i32, i32
  }
  func.func @transform_11(%arg0: i32, %arg1: i32) -> (i32, i32, i32) {
    %c0_i32 = arith.constant 0 : i32
    %c0_i32_0 = arith.constant 0 : i32
    return %arg0, %arg1, %c0_i32 : i32, i32, i32
  }
  func.func @transform_12(%arg0: i32, %arg1: i32) -> (i32, i32) {
    %c0_i32 = arith.constant 0 : i32
    %c0_i32_0 = arith.constant 0 : i32
    %c0_i32_1 = arith.constant 0 : i32
    return %c0_i32, %c0_i32_0 : i32, i32
  }
}

module attributes {stable_mosaic.version = 14 : i64} {
  func.func @_finish_body(%arg0: i32, %arg1: memref<512x256xf32, #tpu.memory_space<vmem>>, %arg2: memref<512x256xf32, #tpu.memory_space<vmem>>, %arg3: memref<2x256xf32, #tpu.memory_space<vmem>>, %arg4: memref<1x256xf32, #tpu.memory_space<vmem>>, %arg5: memref<1x256xf32, #tpu.memory_space<vmem>>, %arg6: memref<512x256xf32, #tpu.memory_space<vmem>>) attributes {dimension_semantics = [#tpu.dimension_semantics<arbitrary>], iteration_bounds = array<i64: 16>, scalar_prefetch = 0 : i64, scratch_operands = 0 : i64, tpu.core_type = #tpu.core_type<tc>, window_params = [{transform_indices = @transform_0, window_bounds = array<i64: 512, 256>}, {transform_indices = @transform_1, window_bounds = array<i64: 512, 256>}, {pipeline_mode = #tpu.pipeline_mode<synchronous>, transform_indices = @transform_2, window_bounds = array<i64: 2, 256>}, {pipeline_mode = #tpu.pipeline_mode<synchronous>, transform_indices = @transform_3, window_bounds = array<i64: 1, 256>}, {pipeline_mode = #tpu.pipeline_mode<synchronous>, transform_indices = @transform_4, window_bounds = array<i64: 1, 256>}, {transform_indices = @transform_5, window_bounds = array<i64: 512, 256>}]} {
    %get3A = arith.constant 0 : index
    %get3A_0 = arith.constant 0 : index
    %get3A_1 = vector.load %arg3[%get3A, %get3A_0] : memref<2x256xf32, #tpu.memory_space<vmem>>, vector<1x256xf32>
    %mul3A = arith.constant 3.81469727E-6 : f32
    %mul3A_2 = vector.broadcast %mul3A : f32 to vector<1x256xf32>
    %mul3A_3 = arith.mulf %get3A_1, %mul3A_2 : vector<1x256xf32>
    %get3A_4 = arith.constant 1 : index
    %get3A_5 = arith.constant 0 : index
    %get3A_6 = vector.load %arg3[%get3A_4, %get3A_5] : memref<2x256xf32, #tpu.memory_space<vmem>>, vector<1x256xf32>
    %mul3A_7 = arith.constant 3.81469727E-6 : f32
    %mul3A_8 = vector.broadcast %mul3A_7 : f32 to vector<1x256xf32>
    %mul3A_9 = arith.mulf %get3A_6, %mul3A_8 : vector<1x256xf32>
    %mul3A_10 = arith.mulf %mul3A_3, %mul3A_3 : vector<1x256xf32>
    %sub3A = arith.subf %mul3A_9, %mul3A_10 : vector<1x256xf32>
    %get3A_11 = arith.constant 0 : index
    %get3A_12 = arith.constant 0 : index
    %get3A_13 = vector.load %arg4[%get3A_11, %get3A_12] : memref<1x256xf32, #tpu.memory_space<vmem>>, vector<1x256xf32>
    %add3A = arith.constant 9.99999974E-6 : f32
    %add3A_14 = vector.broadcast %add3A : f32 to vector<1x256xf32>
    %add3A_15 = arith.addf %sub3A, %add3A_14 : vector<1x256xf32>
    %sqrt3A = math.sqrt %add3A_15 : vector<1x256xf32>
    %div3A = arith.divf %get3A_13, %sqrt3A : vector<1x256xf32>
    %get3A_16 = arith.constant 0 : index
    %get3A_17 = arith.constant 0 : index
    %get3A_18 = vector.load %arg5[%get3A_16, %get3A_17] : memref<1x256xf32, #tpu.memory_space<vmem>>, vector<1x256xf32>
    %mul3A_19 = arith.mulf %mul3A_3, %div3A : vector<1x256xf32>
    %sub3A_20 = arith.subf %get3A_18, %mul3A_19 : vector<1x256xf32>
    %ge3A = arith.constant 0.000000e+00 : f32
    %ge3A_21 = vector.broadcast %ge3A : f32 to vector<1x256xf32>
    %ge3A_22 = arith.cmpf oge, %div3A, %ge3A_21 : vector<1x256xf32>
    %get3A_23 = arith.constant 0 : index
    %get3A_24 = arith.constant 0 : index
    %get3A_25 = vector.load %arg1[%get3A_23, %get3A_24] : memref<512x256xf32, #tpu.memory_space<vmem>>, vector<512x256xf32>
    %get3A_26 = arith.constant 0 : index
    %get3A_27 = arith.constant 0 : index
    %get3A_28 = vector.load %arg2[%get3A_26, %get3A_27] : memref<512x256xf32, #tpu.memory_space<vmem>>, vector<512x256xf32>
    %broadcast_in_dim3A = vector.shape_cast %ge3A_22 : vector<1x256xi1> to vector<1x256xi1>
    %broadcast_in_dim3A_29 = vector.broadcast %broadcast_in_dim3A : vector<1x256xi1> to vector<512x256xi1>
    %select_n3A = arith.select %broadcast_in_dim3A_29, %get3A_25, %get3A_28 : vector<512x256xi1>, vector<512x256xf32>
    %mul3A_30 = vector.broadcast %div3A : vector<1x256xf32> to vector<512x256xf32>
    %mul3A_31 = arith.mulf %select_n3A, %mul3A_30 : vector<512x256xf32>
    %add3A_32 = vector.broadcast %sub3A_20 : vector<1x256xf32> to vector<512x256xf32>
    %add3A_33 = arith.addf %mul3A_31, %add3A_32 : vector<512x256xf32>
    %max3A = arith.constant 0.000000e+00 : f32
    %max3A_34 = vector.broadcast %max3A : f32 to vector<512x256xf32>
    %max3A_35 = arith.maximumf %add3A_33, %max3A_34 : vector<512x256xf32>
    %swap3A = arith.constant 0 : index
    %swap3A_36 = arith.constant 0 : index
    %swap3A_37 = vector.load %arg6[%swap3A, %swap3A_36] : memref<512x256xf32, #tpu.memory_space<vmem>>, vector<512x256xf32>
    tpu.vector_store %arg6[%swap3A, %swap3A_36], %max3A_35 {strides = array<i32>} : memref<512x256xf32, #tpu.memory_space<vmem>>, vector<512x256xf32>,
    return
  }
  func.func @transform_0(%arg0: i32) -> (i32, i32) {
    %c0_i32 = arith.constant 0 : i32
    %c0_i32_0 = arith.constant 0 : i32
    return %arg0, %c0_i32 : i32, i32
  }
  func.func @transform_1(%arg0: i32) -> (i32, i32) {
    %c0_i32 = arith.constant 0 : i32
    %c0_i32_0 = arith.constant 0 : i32
    return %arg0, %c0_i32 : i32, i32
  }
  func.func @transform_2(%arg0: i32) -> (i32, i32) {
    %c0_i32 = arith.constant 0 : i32
    %c0_i32_0 = arith.constant 0 : i32
    %c0_i32_1 = arith.constant 0 : i32
    return %c0_i32, %c0_i32_0 : i32, i32
  }
  func.func @transform_3(%arg0: i32) -> (i32, i32) {
    %c0_i32 = arith.constant 0 : i32
    %c0_i32_0 = arith.constant 0 : i32
    %c0_i32_1 = arith.constant 0 : i32
    return %c0_i32, %c0_i32_0 : i32, i32
  }
  func.func @transform_4(%arg0: i32) -> (i32, i32) {
    %c0_i32 = arith.constant 0 : i32
    %c0_i32_0 = arith.constant 0 : i32
    %c0_i32_1 = arith.constant 0 : i32
    return %c0_i32, %c0_i32_0 : i32, i32
  }
  func.func @transform_5(%arg0: i32) -> (i32, i32) {
    %c0_i32 = arith.constant 0 : i32
    %c0_i32_0 = arith.constant 0 : i32
    return %arg0, %c0_i32 : i32, i32
  }
}

</mosaic_0001>

<sc_bundles>
// kernel: kernel.7.cloned.1.call-start
scs
__scs_entry_jumppad:
0x0: {  	(pc) =	sbr.rel $0x88, $3  }
0x1: {  	(tag) =	ssettag $0x0;
	lr =	simm.s32 $0x1  }
0x2: {  	[smem:$0x3F97] =	sst lr;
	_ =	strace $0xD0000000  }
0x3: {  	_ = 	snop  }
0x4: {  	_ = 	snop  }
0x5: {  	_ = 	snop  }
0x6: {  	_ = 	snop  }
0x7: {  	_ = 	snop  }
__scs_overlays_trampoline_lowered:
0x8: {  	[smem:$0x3FA6] =	sst s0  }
0x9: {  	[smem:$0x3FA7] =	sst s1  }
0xa: {  	[smem:$0x3FA8] =	sst s2  }
0xb: {  	[smem:$0x3FA9] =	sst s3  }
0xc: {  	[smem:$0x3FAA] =	sst s4  }
0xd: {  	[smem:$0x3FAB] =	sst s5  }
0xe: {  	[smem:$0x3FAC] =	sst s6  }
0xf: {  	[smem:$0x3FAD] =	sst s7  }
0x10: {  	[smem:$0x3FAE] =	sst s8  }
0x11: {  	[smem:$0x3FAF] =	sst s9;
	s0 =	simm.s32 @!p0 $0x0  }
0x12: {  	s1 =	sld [smem:$0x3F95];
	s0 =	simm.s32 @p0 $0x1  }
0x13: {  	[smem:$0x3FB0] =	sst s0;
	s0 =	simm.s32 @!p1 $0x0  }
0x14: {  	s2 =	sld [smem:$0x3F94];
	s0 =	simm.s32 @p1 $0x1  }
0x15: {  	[smem:$0x3FB1] =	sst s0;
	s0 =	simm.s32 @!p2 $0x0  }
0x16: {  	s3 =	sld [smem:$0x3FDB];
	s0 =	simm.s32 @p2 $0x1  }
0x17: {  	s4 =	simm.s32 $0x1BF5;
	[smem:$0x3FB3] =	sst s0  }
0x18: {  	s0 =	sld [smem:$0x3F96];
	_ =	swait.ge [sflag:s4], $0x0  }
0x19: {  	s7 =	sld [smem:$0x3F97]  }
0x1a: {  	s8 =	sadd.s32 $0xFFFFE003, lr  }
0x1b: {  	s9 =	sadd.s32 $0xFFFFFEF7, lr;
	s5 =	simm.s32 $0xFFFFFFFF;
	p2 =	slt.u32 s8, $0xFFFFF086  }
0x1c: {  	p1 =	slt.u32 s9, $0xF7A;
	s5 =	simm.s32 @!p2 $0x0  }
0x1d: {  	s5 =	simm.s32 @p1 $0x1;
	p0 =	seq.s32 s7, s2  }
0x1e: {  	s7 =	smul.u32 @!p0 $0xF7A, s2;
	p2 =	seq.s32 @!p0 s5, $0x0  }
0x1f: {  	s9 =	smul.u32 $0xF7A, s1;
	s8 =	simm.s32 @!p0 $0x1BF5;
	p2 =	por !p2, p0  }
0x20: {  	[sflag:s8] =	ssyncset.s32 @!p0 $0xFFFFF086;
	s6 =	sadd.s32 @!p0 s3, s7;
	s7 =	simm.s32 @!p0 $0x108  }
0x21: {  	s3 =	sadd.s32 s3, s9;
	s6 =	sadd.s32 @!p0 $0x88, s6;
	s7 =	simm.s32 @p2 $0x1082  }
0x22: {  	[simem:s7], [sflag:s8] =	dma.local @!p0 [hbm:s6], $0xF7A  }
0x23: {  	s9 =	sor.u32 $0xD0000000, s2;
	s6 =	simm.s32 $0x108;
	_ =	swait.ge @!p0 [sflag:s8], $0x0  }
0x24: {  	s3 =	sadd.s32 $0x88, s3;
	s6 =	simm.s32 @!p1 $0x1082;
	[sflag:s4] =	ssyncset.s32 $0xFFFFF086  }
0x25: {  	[simem:s6], [sflag:s4] =	dma.local [hbm:s3], $0xF7A  }
0x26: {  	[smem:$0x3F97] =	sst s1;
	(tag) =	ssettag s2;
	_ =	strace s9  }
0x27: {  	s1 =	sld [smem:$0x3FA7]  }
0x28: {  	s2 =	sld [smem:$0x3FA8]  }
0x29: {  	s4 =	sld [smem:$0x3FAA]  }
0x2a: {  	p0 =	seq.s32 s5, $0x0;
	s5 =	sld [smem:$0x3FAB]  }
0x2b: {  	s6 =	sld [smem:$0x3FAC]  }
0x2c: {  	s7 =	sld [smem:$0x3FAD]  }
0x2d: {  	s3 =	simm.s32 $0x108;
	s8 =	sld [smem:$0x3FAE]  }
0x2e: {  	s3 =	simm.s32 @!p0 $0x1082;
	s9 =	sld [smem:$0x3FAF]  }
0x2f: {  	lr =	sadd.s32 s0, s3;
	s0 =	sld [smem:$0x3FA6]  }
0x30: {  	s3 =	sld [smem:$0x3FA9]  }
0x31: {  	[smem:$0x3FB2] =	sst s10  }
0x32: {  	s10 =	sld [smem:$0x3FB0];
	_ =	sdelay $0x3  }
0x33: {  	p0 =	seq.s32 s10, $0x1;
	s10 =	sld [smem:$0x3FB2];
	_ =	sdelay $0x3  }
0x34: {  	[smem:$0x3FB2] =	sst s10  }
0x35: {  	s10 =	sld [smem:$0x3FB1];
	_ =	sdelay $0x3  }
0x36: {  	p1 =	seq.s32 s10, $0x1;
	s10 =	sld [smem:$0x3FB2];
	_ =	sdelay $0x3  }
0x37: {  	[smem:$0x3FB2] =	sst s10  }
0x38: {  	s10 =	sld [smem:$0x3FB3]  }
0x39: {  	_ = 	snop;
	(pc) =	sbr.ind lr, $3  }
0x3a: {  	_ = 	snop  }
0x3b: {  	_ = 	snop  }
0x3c: {  	p2 =	seq.s32 s10, $0x1;
	s10 =	sld [smem:$0x3FB2]  }
0x3d: {  	_ =	shalt  }
0x3e: {  	_ =	shalt  }
0x3f: {  	_ =	shalt  }
0x40: {  	_ =	shalt  }
0x41: {  	_ =	shalt  }
0x42: {  	_ =	shalt  }
0x43: {  	_ =	shalt  }
0x44: {  	_ =	shalt  }
0x45: {  	_ =	shalt  }
0x46: {  	_ =	shalt  }
0x47: {  	_ =	shalt  }
0x48: {  	_ =	shalt  }
0x49: {  	_ =	shalt  }
0x4a: {  	_ =	shalt  }
0x4b: {  	_ =	shalt  }
0x4c: {  	_ =	shalt  }
0x4d: {  	_ =	shalt  }
0x4e: {  	_ =	shalt  }
0x4f: {  	_ =	shalt  }
0x50: {  	_ =	shalt  }
0x51: {  	_ =	shalt  }
0x52: {  	_ =	shalt  }
0x53: {  	_ =	shalt  }
0x54: {  	_ =	shalt  }
0x55: {  	_ =	shalt  }
0x56: {  	_ =	shalt  }
0x57: {  	_ =	shalt  }
0x58: {  	_ =	shalt  }
0x59: {  	_ =	shalt  }
0x5a: {  	_ =	shalt  }
0x5b: {  	_ =	shalt  }
0x5c: {  	_ =	shalt  }
0x5d: {  	_ =	shalt  }
0x5e: {  	_ =	shalt  }
0x5f: {  	_ =	shalt  }
0x60: {  	_ =	shalt  }
0x61: {  	_ =	shalt  }
0x62: {  	_ =	shalt  }
0x63: {  	_ =	shalt  }
0x64: {  	_ =	shalt  }
0x65: {  	_ =	shalt  }
0x66: {  	_ =	shalt  }
0x67: {  	_ =	shalt  }
0x68: {  	_ =	shalt  }
0x69: {  	_ =	shalt  }
0x6a: {  	_ =	shalt  }
0x6b: {  	_ =	shalt  }
0x6c: {  	_ =	shalt  }
0x6d: {  	_ =	shalt  }
0x6e: {  	_ =	shalt  }
0x6f: {  	_ =	shalt  }
0x70: {  	_ =	shalt  }
0x71: {  	_ =	shalt  }
0x72: {  	_ =	shalt  }
0x73: {  	_ =	shalt  }
0x74: {  	_ =	shalt  }
0x75: {  	_ =	shalt  }
0x76: {  	_ =	shalt  }
0x77: {  	_ =	shalt  }
0x78: {  	_ =	shalt  }
0x79: {  	_ =	shalt  }
0x7a: {  	_ =	shalt  }
0x7b: {  	_ =	shalt  }
0x7c: {  	_ =	shalt  }
0x7d: {  	_ =	shalt  }
0x7e: {  	_ =	shalt  }
0x7f: {  	_ =	shalt  }
0x80: {  	_ =	shalt  }
0x81: {  	_ =	shalt  }
0x82: {  	_ =	shalt  }
0x83: {  	_ =	shalt  }
0x84: {  	_ =	shalt  }
0x85: {  	_ =	shalt  }
0x86: {  	_ =	shalt  }
0x87: {  	_ =	shalt  }
.Lfunc_end0:
.L_simem_size_0:
called_computation_lowered:
.L_overlay_start_0:
0x88: {  	s2 =	sld [smem:$0x3FD9]  }
0x89: {  	s3 =	sld [smem:$0x3FFE];
	_ =	sdelay $0x1  }
0x8a: {  	s1 =	srdreg.scid  }
0x8b: {  	s0 =	sand.u32 $0x1, s1  }
0x8c: {  	s17 =	sshll.u32 s0, $0xA;
	s2 =	sadd.s32 s3, s2  }
0x8d: {  	s2 =	sadd.s32 s2, s17  }
0x8e: {  	[smem:$0x3FBE] =	sst s2  }
0x8f: {  	_ = 	snop  }
0x90: {  	s2 =	sld [smem:$0x3FC9];
	(tm) =	ssettm $0x1  }
0x91: {  	s18 =	sld [smem:$0x3FFB];
	_ =	sdelay $0x3  }
0x92: {  	_ =	strace s18  }
0x93: {  	s3 =	sld [smem:$0x3FFC];
	_ =	sdelay $0x3  }
0x94: {  	_ =	strace s3  }
0x95: {  	s3 =	sld [smem:$0x3FFD];
	_ =	sdelay $0x3  }
0x96: {  	_ =	strace s3  }
0x97: {  	_ =	strace $0x8FFFFFFF  }
0x98: {  	s19 =	sld [smem:$0x3FDB];
	_ =	sdelay $0x1  }
0x99: {  	s4 =	simm.s32 $_scs_section_size  }
0x9a: {  	s5 =	simm.s32 $_size__tile_overlayer_lowered;
	s6 =	simm.s32 $_tile_overlayer_lowered  }
0x9b: {  	s22 =	simm.s32 $0x1BFF;
	s21 =	sshll.u32 s6, $0x1;
	s3 =	sadd.s32 s4, s19  }
0x9c: {  	s7 =	simm.s32 $0x0;
	s20 =	sshll.u32 s5, $0x1;
	s5 =	sadd.s32 s21, s3  }
0x9d: {  	[timem:s7], [sflag:s22] =	dma.local [hbm:s5], s20  }
0x9e: {  	_ =	swait.ge [sflag:s22], s20  }
0x9f: {  	s4 =	ssub.s32 $0x0, s20;
	[sflag:s22] =	ssyncset.done $0x0  }
0xa0: {  	[sflag:s22] =	ssyncadd.s32 s4;
	_ =	sdelay $0x1  }
0xa1: {  	s23 =	simm.s32 $0x1B8B  }
0xa2: {  	_ =	swait.ge [sflag:s23], $0x1  }
0xa3: {  	[sflag:s23] =	ssyncset.done $0x0  }
0xa4: {  	s25 =	simm.s32 $0x1B8E;
	s24 =	sld [smem:$0x3FFE];
	[sflag:s23] =	ssyncadd.s32 $0xFFFFFFFF  }
0xa5: {  	s26 =	simm.s32 $execute0_lowered;
	[smem:$0x3FD2] =	sst s25  }
0xa6: {  	s5 =	sshll.u32 s26, $0x1;
	_ =	strace $0x80000046;
	[dreg:$0x1] =	wrdreg $0xFFFFFFFF  }
0xa7: {  	s28 =	simm.s32 $_size_execute0_lowered;
	s3 =	sadd.s32 s3, s5;
	[dreg:$0x0] =	wrdreg $0x0  }
0xa8: {  	s5 =	sshll.u32 s28, $0x1;
	[dreg:$0x2] =	wrdreg s3  }
0xa9: {  	[dreg:$0x3] =	wrdreg s5  }
0xaa: {  	[dreg:$0x4] =	wrdreg $0xC0  }
0xab: {  	_ =	task [dreg:s7], $0x5FFFF  }
0xac: {  	[dreg:$0x1] =	wrdreg $0xFFFFFFFF  }
0xad: {  	[dreg:$0x0] =	wrdreg $0x60  }
0xae: {  	[dreg:$0x2] =	wrdreg s2  }
0xaf: {  	[dreg:$0x3] =	wrdreg s24  }
0xb0: {  	[dreg:$0x4] =	wrdreg $0x9  }
0xb1: {  	_ =	task.clear_ibuf [dreg:s7], $0x5FFFF;
	_ =	strace $0x90000046  }
0xb2: {  	s29 =	simm.s32 $0x9;
	_ =	strace $0x80000048  }
0xb3: {  	_ =	swait.ge [sflag:s29], $0x1  }
0xb4: {  	[sflag:s29] =	ssyncadd.s32 $0xFFFFFFFF  }
0xb5: {  	_ =	strace $0x90000048  }
0xb6: {  	_ =	sfence  }
0xb7: {  	s30 =	sld [smem:$0x0];
	_ =	sdelay $0x2  }
0xb8: {  	s31 =	sshll.u32 s1, $0xD;
	s1 =	sshrl.u32 s1, $0x2  }
0xb9: {  	s3 =	sand.u32 $0x4000, s31;
	s1 =	sadd.s32 s1, s30  }
0xba: {  	s0 =	sor.u32 s3, s0;
	s1 =	sshll.u32 s1, $0x11  }
0xbb: {  	s0 =	sor.u32 s1, s0  }
0xbc: {  	s0 =	sadd.s32 $0x8F2B, s0  }
0xbd: {  	[sflag:s0] =	ssyncadd.remote.s32 $0x1  }
0xbe: {  	_ =	sfence.sel $0xFFFF  }
0xbf: {  	[dreg:$0x0] =	wrdreg $0xFFFFFFFF;
	(pc) =	sbr.abs _section_cstart, $3  }
0xc0: {  	[dreg:$0x1] =	wrdreg $0xFFFFFFFF  }
0xc1: {  	_ =	task.clear_ibuf [dreg:s7], $0x2FFFF;
	_ =	strace $0x9FFFFFFF  }
0xc2: {  	(tm) =	ssettm $0x7FFFFFFF  }
0xc3: {  	_ =	shalt  }
tec
execute0_lowered:
.L_overlay_start_1:
0x0: {  	(tag) =	ssettag $0x1  }
0x1: {  	s1 =	rddreg [dreg:$0x0]  }
0x2: {  	s5 =	rddreg [dreg:$0x1]  }
0x3: {  	s0 =	rddreg [dreg:$0x2];
	s2 =	simm.s32 $0x0  }
0x4: {  	s3 =	srdreg.scid;
	s10 =	simm.s32 $0x3;
	s11 =	simm.s32 $0x100  }
0x5: {  	s12 =	simm.s32 $0x200;
	s13 =	simm.s32 $0x8200;
	s14 =	simm.s32 $0x1  }
0x6: {  	s15 =	simm.s32 $0x2;
	s16 =	simm.s32 $0x0;
	[smem:$0x7FF] =	sst s2  }
0x7: {  	s6 =	sand.u32 $0x1, s3;
	s3 =	stileid.u32;
	s4 =	sadd.s32 $0x1000, s5  }
0x8: {  	_ =	strace $0x80000047;
	s7 =	ssub.s32 $0x2, s6;
	s8 =	sshll.u32 s3, $0x12  }
0x9: {  	s30 =	sshll.u32 s6, $0x11;
	s31 =	sshll.u32 s3, $0xE;
	s9 =	sshrl.u32 s7, $0x1  }
0xa: {  	s6 =	sshll.u32 s6, $0xD;
	s5 =	sadd.s32 s8, s5;
	s7 =	ssub.s32 s7, s9  }
0xb: {  	s8 =	sadd.s32 s30, s5;
	s5 =	sor.u32 s6, s31;
	s9 =	simm.s32 $0x400  }
0xc: {  	s6 =	smax.u32 s7, $0x1;
	s7 =	sadd.s32 $0x9000, s8;
	s8 =	simm.s32 $0x80  }
.LBB2_1:
0xd: {  	s17 =	simm.s32 $0x0  }
0xe: {  	s17 =	sand.u32 $0x300, s17  }
0xf: {  	s18 =	sand.u32 $0x1800, s2;
	s17 =	sor.u32 s5, s17  }
0x10: {  	s17 =	sor.u32 s18, s17  }
0x11: {  	s17 =	sshrl.u32 s17, $0x3  }
0x12: {  	s19 =	sand.u32 $0x380, s8;
	s17 =	sadd.s32 s4, s17  }
0x13: {  	[tilespmem:s2], [sflag:$0x3] =	stream.strided.gather [hbm4b:s17+s8], $0x100, s9, s8, $0x38;
	[tilespmem:$0x10200] =	vst v63  }
0x14: {  	s31 =	sor.u32 s19, s5;
	_ =	swait.ge [sflag:s10], $0x100  }
0x15: {  	s17 =	sor.u32 s18, s31;
	[sflag:s10] =	ssyncset.done $0x0  }
0x16: {  	s17 =	sshrl.u32 s17, $0x3;
	[sflag:s10] =	ssyncadd.s32 $0xFFFFFF00  }
0x17: {  	[tilespmem:s12], [sflag:$0x1] =	stream.indirect.gather [hbm4b:s1+s11], $0x80, s2, s11, $0xb8;
	[tilespmem:$0x10200] =	vst v63  }
0x18: {  	s17 =	sadd.s32 s4, s17  }
0x19: {  	[tilespmem:s11], [sflag:$0x3] =	stream.strided.gather [hbm4b:s17+s8], $0x100, s9, s8, $0x38;
	[tilespmem:$0x10200] =	vst v63  }
0x1a: {  	_ =	swait.ge [sflag:s10], $0x100  }
0x1b: {  	[sflag:s10] =	ssyncset.done $0x0  }
0x1c: {  	[sflag:s10] =	ssyncadd.s32 $0xFFFFFF00  }
0x1d: {  	[tilespmem:s13], [sflag:$0x2] =	stream.indirect.gather [hbm4b:s1+s11], $0x80, s11, s11, $0xb8;
	[tilespmem:$0x10200] =	vst v63  }
0x1e: {  	_ =	swait.ge [sflag:s14], $0x8000  }
0x1f: {  	[sflag:s14] =	ssyncset.done $0x0  }
0x20: {  	s21 =	simm.s32 $0x180;
	s20 =	sadd.s32 $0x1000, s7;
	[sflag:s14] =	ssyncadd.s32 $0xFFFF8000  }
0x21: {  	[hbm4b:s7+s2] =	stream.linear.scatter [tilespmem:s12], [sflag:$0x3], $0x8000, $0x38;
	[tilespmem:$0x10200] =	vst v63  }
0x22: {  	s22 =	simm.s32 $0x100;
	s19 =	simm.s32 $0x200;
	_ =	swait.ge [sflag:s10], $0x8000  }
0x23: {  	s22 =	sand.u32 $0x300, s22;
	s21 =	sand.u32 $0x380, s21;
	[sflag:s10] =	ssyncset.done $0x0  }
0x24: {  	s23 =	sand.u32 $0x1800, s19;
	s22 =	sor.u32 s5, s22;
	[sflag:s10] =	ssyncadd.s32 $0xFFFF8000  }
0x25: {  	s21 =	sor.u32 s21, s5;
	s22 =	sor.u32 s23, s22;
	_ =	swait.ge [sflag:s15], $0x8000  }
0x26: {  	s21 =	sor.u32 s23, s21;
	s22 =	sshrl.u32 s22, $0x3;
	[sflag:s15] =	ssyncset.done $0x0  }
0x27: {  	s18 =	simm.s32 $0x280;
	s17 =	sadd.s32 $0x2000, s7;
	[sflag:s15] =	ssyncadd.s32 $0xFFFF8000  }
.LBB2_2:
0x28: {  	[hbm4b:s20+s2] =	stream.linear.scatter [tilespmem:s13], [sflag:$0x3], $0x8000, $0x38;
	[tilespmem:$0x10200] =	vst v63  }
0x29: {  	s23 =	smov.u32 s18;
	s20 =	smov.u32 s17  }
0x2a: {  	p0 =	sne.s32 s18, $0xF80;
	s18 =	sadd.s32 $0x100, s18;
	_ =	swait.ge [sflag:s10], $0x8000  }
0x2b: {  	[sflag:s10] =	ssyncset.done $0x0  }
0x2c: {  	s22 =	sadd.s32 s4, s22;
	[sflag:s10] =	ssyncadd.s32 $0xFFFF8000  }
0x2d: {  	[tilespmem:s2], [sflag:$0x3] =	stream.strided.gather [hbm4b:s22+s8], $0x100, s9, s8, $0x38;
	[tilespmem:$0x10200] =	vst v63  }
0x2e: {  	_ =	swait.ge [sflag:s10], $0x100  }
0x2f: {  	[sflag:s10] =	ssyncset.done $0x0  }
0x30: {  	s21 =	sshrl.u32 s21, $0x3;
	[sflag:s10] =	ssyncadd.s32 $0xFFFFFF00  }
0x31: {  	[tilespmem:s12], [sflag:$0x1] =	stream.indirect.gather [hbm4b:s1+s11], $0x80, s2, s11, $0xb8;
	[tilespmem:$0x10200] =	vst v63  }
0x32: {  	s21 =	sadd.s32 s4, s21  }
0x33: {  	[tilespmem:s11], [sflag:$0x3] =	stream.strided.gather [hbm4b:s21+s8], $0x100, s9, s8, $0x38;
	[tilespmem:$0x10200] =	vst v63  }
0x34: {  	_ =	swait.ge [sflag:s10], $0x100  }
0x35: {  	[sflag:s10] =	ssyncset.done $0x0  }
0x36: {  	[sflag:s10] =	ssyncadd.s32 $0xFFFFFF00  }
0x37: {  	[tilespmem:s13], [sflag:$0x2] =	stream.indirect.gather [hbm4b:s1+s11], $0x80, s11, s11, $0xb8;
	[tilespmem:$0x10200] =	vst v63  }
0x38: {  	_ =	swait.ge [sflag:s14], $0x8000  }
0x39: {  	[sflag:s14] =	ssyncset.done $0x0  }
0x3a: {  	s17 =	sadd.s32 $0x2000, s17;
	[sflag:s14] =	ssyncadd.s32 $0xFFFF8000  }
0x3b: {  	[hbm4b:s20+s2] =	stream.linear.scatter [tilespmem:s12], [sflag:$0x3], $0x8000, $0x38;
	[tilespmem:$0x10200] =	vst v63  }
0x3c: {  	s19 =	sadd.s32 $0x200, s19;
	s20 =	sadd.s32 $0x1000, s20;
	_ =	swait.ge [sflag:s10], $0x8000  }
.Ltmp0:
0x3d: {  	s21 =	sadd.s32 $0xFFFFFF80, s23;
	[sflag:s10] =	ssyncset.done $0x0;
	(pc) =	sbr.rel @p0 .LBB2_2-.Ltmp0, $4  }
0x3e: {  	s22 =	sand.u32 $0x380, s23;
	s21 =	sand.u32 $0x300, s21;
	[sflag:s10] =	ssyncadd.s32 $0xFFFF8000  }
0x3f: {  	s23 =	sand.u32 $0x1800, s19;
	s21 =	sor.u32 s5, s21;
	_ =	swait.ge [sflag:s15], $0x8000  }
0x40: {  	s24 =	sor.u32 s22, s5;
	s21 =	sor.u32 s23, s21;
	[sflag:s15] =	ssyncset.done $0x0  }
0x41: {  	s22 =	sshrl.u32 s21, $0x3;
	s21 =	sor.u32 s23, s24;
	[sflag:s15] =	ssyncadd.s32 $0xFFFF8000  }
0x42: {  	[hbm4b:s20+s2] =	stream.linear.scatter [tilespmem:s13], [sflag:$0x3], $0x8000, $0x38;
	[tilespmem:$0x10200] =	vst v63  }
0x43: {  	_ =	swait.ge [sflag:s10], $0x8000  }
0x44: {  	[sflag:s10] =	ssyncset.done $0x0  }
0x45: {  	s18 =	sadd.s32 s4, s22;
	[sflag:s10] =	ssyncadd.s32 $0xFFFF8000  }
0x46: {  	[tilespmem:s2], [sflag:$0x3] =	stream.strided.gather [hbm4b:s18+s8], $0x100, s9, s8, $0x38;
	[tilespmem:$0x10200] =	vst v63  }
0x47: {  	_ =	swait.ge [sflag:s10], $0x100  }
0x48: {  	[sflag:s10] =	ssyncset.done $0x0  }
0x49: {  	s30 =	sshrl.u32 s21, $0x3;
	[sflag:s10] =	ssyncadd.s32 $0xFFFFFF00  }
0x4a: {  	[tilespmem:s12], [sflag:$0x1] =	stream.indirect.gather [hbm4b:s1+s11], $0x80, s2, s11, $0xb8;
	[tilespmem:$0x10200] =	vst v63  }
0x4b: {  	s18 =	sadd.s32 s4, s30  }
0x4c: {  	[tilespmem:s11], [sflag:$0x3] =	stream.strided.gather [hbm4b:s18+s8], $0x100, s9, s8, $0x38;
	[tilespmem:$0x10200] =	vst v63  }
0x4d: {  	_ =	swait.ge [sflag:s10], $0x100  }
0x4e: {  	[sflag:s10] =	ssyncset.done $0x0  }
0x4f: {  	[sflag:s10] =	ssyncadd.s32 $0xFFFFFF00  }
0x50: {  	[tilespmem:s13], [sflag:$0x2] =	stream.indirect.gather [hbm4b:s1+s11], $0x80, s11, s11, $0xb8;
	[tilespmem:$0x10200] =	vst v63  }
0x51: {  	_ =	swait.ge [sflag:s14], $0x8000  }
0x52: {  	[sflag:s14] =	ssyncset.done $0x0  }
0x53: {  	[sflag:s14] =	ssyncadd.s32 $0xFFFF8000  }
0x54: {  	[hbm4b:s17+s2] =	stream.linear.scatter [tilespmem:s12], [sflag:$0x3], $0x8000, $0x38;
	[tilespmem:$0x10200] =	vst v63  }
0x55: {  	_ =	swait.ge [sflag:s10], $0x8000  }
0x56: {  	[sflag:s10] =	ssyncset.done $0x0  }
0x57: {  	[sflag:s10] =	ssyncadd.s32 $0xFFFF8000  }
0x58: {  	s16 =	sadd.s32 $0x1, s16;
	_ =	swait.ge [sflag:s15], $0x8000  }
0x59: {  	p0 =	sne.s32 s16, s6;
	[sflag:s15] =	ssyncset.done $0x0  }
.Ltmp1:
0x5a: {  	s31 =	sadd.s32 $0x1000, s17;
	[sflag:s15] =	ssyncadd.s32 $0xFFFF8000;
	(pc) =	sbr.rel @p0 .LBB2_1-.Ltmp1, $4  }
0x5b: {  	[hbm4b:s31+s2] =	stream.linear.scatter [tilespmem:s13], [sflag:$0x3], $0x8000, $0x38;
	[tilespmem:$0x10200] =	vst v63  }
0x5c: {  	_ =	swait.ge [sflag:s10], $0x8000  }
0x5d: {  	[sflag:s10] =	ssyncset.done $0x0  }
0x5e: {  	[sflag:s10] =	ssyncadd.s32 $0xFFFF8000  }
0x5f: {  	_ =	sfence.sel $0x180000  }
0x60: {  	[bflag:$0x0] =	sbarrier.arrive $0xFFFF  }
0x61: {  	p0 =	sne.s32 s3, $0x0;
	_ =	strace $0x90000047  }
0x62: {  	s0 =	sadd.s32 @!p0 $0x100000, s0;
	[bflag:$0x2] =	sbarrier.arrive $0xFFFF  }
0x63: {  	[sflag:s0] =	ssyncadd.tile.s32 @!p0 $0x1;
	_ =	shalt  }
.Lfunc_end2:
_tile_overlayer_lowered:
.L_overlay_start_2:
0x64: {  	(tag) =	ssettag $0x2  }
0x65: {  	s0 =	rddreg [dreg:$0x0];
	s2 =	stileid.u32  }
0x66: {  	s1 =	rddreg [dreg:$0x1];
	p0 =	sne.s32 s2, $0x0  }
0x67: {  	s3 =	rddreg [dreg:$0x2];
	[bflag:$0x3] =	sbarrier.arrive $0xFFFF;
	s2 =	simm.s32 @!p0 $0x1C03  }
0x68: {  	[timem:s3], [sflag:s2] =	dma.local @!p0 [hbm:s0], s1  }
0x69: {  	s0 =	simm.s32 @!p0 $0x3  }
0x6a: {  	_ =	swait.ge @!p0 [sflag:s0], s1  }
0x6b: {  	s1 =	ssub.s32 @!p0 $0x0, s1;
	[sflag:s0] =	ssyncset.done @!p0 $0x0  }
0x6c: {  	[sflag:s0] =	ssyncadd.s32 @!p0 s1  }
0x6d: {  	[bflag:$0x3] =	sbarrier.arrive $0xFFFF  }
0x6e: {  	_ =	shalt  }

</sc_bundles>
